<compile_context>
chip_gen: v7x
topology: tpu7x:2x2x1
jax: 0.10.2.dev20260603
libtpu: 0.0.44.dev20260713+nightly
codegen_flags: <defaults>
</compile_context>

<pallas_src>
import functools

import jax
import jax.numpy as jnp
from jax import lax
from jax.experimental import pallas as pl
from jax.experimental.pallas import tpu as pltpu
from jax.experimental.pallas import tpu_sc as plsc

K_EDGE = 1024
R_SPAN = 128
GC = 128


def _rne_hi16(v):
    b = lax.bitcast_convert_type(v, jnp.int32)
    r = b + jnp.int32(0x7FFF) + ((b >> 16) & 1)
    return r


def _mm_body(x_ref, w_ref, a2_ref, h_ref, s_ref):
    h = jnp.dot(x_ref[...], w_ref[...], preferred_element_type=jnp.float32)
    s_ref[...] = jnp.dot(h, a2_ref[...], preferred_element_type=jnp.float32)
    uh = h.shape[1] // 2
    ra = _rne_hi16(h[:, :uh])
    rb = _rne_hi16(h[:, uh:])
    h_ref[...] = lax.shift_right_logical(ra, 16) | (rb & jnp.int32(-65536))


def _transform(x, W, A2, row_blk):
    N, F = x.shape
    U = W.shape[1]
    grid = (N // row_blk,)
    return pl.pallas_call(
        _mm_body,
        grid=grid,
        in_specs=[
            pl.BlockSpec((row_blk, F), lambda b: (b, 0)),
            pl.BlockSpec((F, U), lambda b: (0, 0)),
            pl.BlockSpec((U, 2), lambda b: (0, 0)),
        ],
        out_specs=[
            pl.BlockSpec((row_blk, U // 2), lambda b: (b, 0)),
            pl.BlockSpec((row_blk, 2), lambda b: (b, 0)),
        ],
        out_shape=[
            jax.ShapeDtypeStruct((N, U // 2), jnp.int32),
            jax.ShapeDtypeStruct((N, 2), jnp.float32),
        ],
    )(x, W, A2)


def _make_sc_edges(N, UW, n_real, E_pad):
    info = plsc.get_sparse_core_info()
    NC, NS, L = info.num_cores, info.num_subcores, info.num_lanes
    NW = NC * NS
    EC = E_pad // NW
    n_full = EC // GC
    rem = EC % GC

    mesh = plsc.VectorSubcoreMesh(core_axis_name="c", subcore_axis_name="s")

    @functools.partial(
        pl.kernel,
        mesh=mesh,
        compiler_params=pltpu.CompilerParams(needs_layout_passes=False),
        out_type=[
            jax.ShapeDtypeStruct((E_pad,), jnp.float32),
            jax.ShapeDtypeStruct((E_pad, UW), jnp.int32),
        ],
        scratch_types=[
            pltpu.VMEM((N,), jnp.float32),
            pltpu.VMEM((N,), jnp.float32),
            pltpu.VMEM((EC,), jnp.int32),
            pltpu.VMEM((EC,), jnp.int32),
            pltpu.VMEM((EC,), jnp.float32),
            pltpu.VMEM((2, GC, UW), jnp.int32),
            pltpu.SemaphoreType.DMA((2,)),
        ],
    )
    def sc_edges(s_hbm, src_hbm, dst_hbm, h_hbm, score_hbm, g_hbm,
                 s1_v, s2_v, src_v, dst_v, score_v, rows_v, sem):
        wid = lax.axis_index("s") * NC + lax.axis_index("c")
        base = wid * EC
        pltpu.sync_copy(s_hbm.at[0], s1_v)
        pltpu.sync_copy(s_hbm.at[1], s2_v)
        pltpu.sync_copy(src_hbm.at[pl.ds(base, EC)], src_v)
        pltpu.sync_copy(dst_hbm.at[pl.ds(base, EC)], dst_v)

        def score_body(i, carry):
            o = i * L
            sv = src_v[pl.ds(o, L)]
            dv = dst_v[pl.ds(o, L)]
            t = plsc.load_gather(s1_v, [sv]) + plsc.load_gather(s2_v, [dv])
            t = jnp.maximum(t, 0.2 * t)
            t = jnp.clip(t, -2.0, 2.0)
            sc = jnp.exp(t)
            gid = base + o + lax.iota(jnp.int32, L)
            sc = jnp.where(gid < n_real, sc, 0.0)
            score_v[pl.ds(o, L)] = sc
            return carry

        lax.fori_loop(0, EC // L, score_body, 0)
        pltpu.sync_copy(score_v, score_hbm.at[pl.ds(base, EC)])

        def _start(k, b):
            pltpu.async_copy(h_hbm.at[dst_v.at[pl.ds(k * GC, GC)]],
                             rows_v.at[b], sem.at[b])

        def _wait(k, b):
            pltpu.make_async_copy(h_hbm.at[dst_v.at[pl.ds(k * GC, GC)]],
                                  rows_v.at[b], sem.at[b]).wait()

        _start(0, 0)
        if n_full > 1:
            _start(1, 1)

        def pair_body(p, carry):
            k0 = p * 2
            for b in range(2):
                k = k0 + b
                _wait(k, b)
                pltpu.sync_copy(rows_v.at[b],
                                g_hbm.at[pl.ds(base + k * GC, GC)])
                nk = k + 2

                @pl.when(nk < n_full)
                def _():
                    _start(nk, b)
            return carry

        lax.fori_loop(0, n_full // 2, pair_body, 0)
        if n_full % 2:
            k = n_full - 1
            _wait(k, 0)
            pltpu.sync_copy(rows_v.at[0], g_hbm.at[pl.ds(base + k * GC, GC)])
        if rem:
            off = n_full * GC
            pltpu.async_copy(h_hbm.at[dst_v.at[pl.ds(off, rem)]],
                             rows_v.at[0, pl.ds(0, rem)], sem.at[0]).wait()
            pltpu.sync_copy(rows_v.at[0, pl.ds(0, rem)],
                            g_hbm.at[pl.ds(base + off, rem)])

    return sc_edges


ZROWS = 1024


def _agg_body(base_sref, g_ref, sc_ref, src_ref, acc_ref, sums_ref, *, nz):
    b = pl.program_id(0)

    @pl.when(b < nz)
    def _init():
        off = pl.multiple_of(jnp.minimum(b, nz - 1) * ZROWS, 8)
        acc_ref[pl.ds(off, ZROWS), :] = jnp.zeros(
            (ZROWS, acc_ref.shape[1]), jnp.float32)
        sums_ref[pl.ds(off, ZROWS), :] = jnp.zeros((ZROWS, 1), jnp.float32)

    @pl.when(b >= nz)
    def _acc():
        bb = jnp.maximum(b - nz, 0)
        base = pl.multiple_of((base_sref[bb] // 8) * 8, 8)
        loc = src_ref[0] - base
        iot = lax.broadcasted_iota(jnp.int32, (R_SPAN, K_EDGE), 0)
        S = jnp.where(iot == loc, sc_ref[0], 0.0)
        g32 = g_ref[...]
        uh = g32.shape[1]
        glo = lax.bitcast_convert_type(g32 << 16, jnp.float32)
        ghi = lax.bitcast_convert_type(g32 & jnp.int32(-65536), jnp.float32)
        clo = jnp.dot(S, glo, preferred_element_type=jnp.float32)
        chi = jnp.dot(S, ghi, preferred_element_type=jnp.float32)
        ones = jnp.ones((K_EDGE, 1), jnp.float32)
        rsum = jnp.dot(S, ones, preferred_element_type=jnp.float32)
        acc_ref[pl.ds(base, R_SPAN), :uh] += clo
        acc_ref[pl.ds(base, R_SPAN), uh:] += chi
        sums_ref[pl.ds(base, R_SPAN), :] += rsum


def _aggregate(base_arr, G, score3, src3, N, U):
    nb = score3.shape[0]
    NA = -(-(N + R_SPAN) // ZROWS) * ZROWS
    nz = NA // ZROWS
    eb = lambda b: jnp.maximum(b - nz, 0)
    grid_spec = pltpu.PrefetchScalarGridSpec(
        num_scalar_prefetch=1,
        grid=(nz + nb,),
        in_specs=[
            pl.BlockSpec((K_EDGE, U // 2), lambda b, s: (eb(b), 0)),
            pl.BlockSpec((1, 1, K_EDGE), lambda b, s: (eb(b), 0, 0)),
            pl.BlockSpec((1, 1, K_EDGE), lambda b, s: (eb(b), 0, 0)),
        ],
        out_specs=[
            pl.BlockSpec((NA, U), lambda b, s: (0, 0)),
            pl.BlockSpec((NA, 1), lambda b, s: (0, 0)),
        ],
    )
    return pl.pallas_call(
        functools.partial(_agg_body, nz=nz),
        grid_spec=grid_spec,
        out_shape=[
            jax.ShapeDtypeStruct((NA, U), jnp.float32),
            jax.ShapeDtypeStruct((NA, 1), jnp.float32),
        ],
    )(base_arr, G, score3, src3)


def _combine_body(a1_ref, a2_ref, s1_ref, s2_ref, out_ref):
    sv = s1_ref[...] + s2_ref[...]
    out_ref[...] = (a1_ref[...] + a2_ref[...]) / jnp.where(sv > 0.0, sv, 1.0)


def _combine(acc1, sums1, acc2, sums2, N, U, row_blk):
    grid = (N // row_blk,)
    return pl.pallas_call(
        _combine_body,
        grid=grid,
        in_specs=[
            pl.BlockSpec((row_blk, U), lambda b: (b, 0)),
            pl.BlockSpec((row_blk, U), lambda b: (b, 0)),
            pl.BlockSpec((row_blk, 1), lambda b: (b, 0)),
            pl.BlockSpec((row_blk, 1), lambda b: (b, 0)),
        ],
        out_specs=pl.BlockSpec((row_blk, U), lambda b: (b, 0)),
        out_shape=jax.ShapeDtypeStruct((N, U), jnp.float32),
    )(acc1, acc2, sums1, sums2)


def kernel(inputs, edges, W, a):
    B, N, F = inputs.shape
    U = W.shape[1]
    E = edges.shape[0]
    nb = -(-E // K_EDGE)
    E_pad = nb * K_EDGE

    x = inputs.reshape(N, F)
    A2 = jnp.concatenate([a[:U], a[U:]], axis=1)

    h, s = _transform(x, W, A2, row_blk=1000)
    sT = s.T

    src = edges[:, 0]
    dst = edges[:, 1]
    pad = E_pad - E
    src_p = jnp.concatenate([src, jnp.full((pad,), N - 1, jnp.int32)])
    dst_p = jnp.concatenate([dst, jnp.zeros((pad,), jnp.int32)])

    nb1 = nb // 2
    splits = [(0, nb1), (nb1, nb)]
    parts = []
    for (b0, b1) in splits:
        e0, e1 = b0 * K_EDGE, b1 * K_EDGE
        n_real = max(0, min(E, e1) - e0)
        sc_edges = _make_sc_edges(N, U // 2, n_real, e1 - e0)
        parts.append((e0, e1, sc_edges))

    scored = [(e0, e1, sce(sT, src_p[e0:e1], dst_p[e0:e1], h))
              for (e0, e1, sce) in parts]

    accs = []
    for (e0, e1, (score, G)) in scored:
        nbi = (e1 - e0) // K_EDGE
        base_arr = src_p[e0:e1:K_EDGE]
        score3 = score.reshape(nbi, 1, K_EDGE)
        src3 = src_p[e0:e1].reshape(nbi, 1, K_EDGE)
        accs.append(_aggregate(base_arr, G, score3, src3, N, U))

    (acc1, sums1), (acc2, sums2) = accs
    out = _combine(acc1, sums1, acc2, sums2, N, U, row_blk=1000)
    return out.reshape(B, N, U)

# --- scband reference (transcript-rebuilt; emitter-appended) ---
"""Pipeline reference for scband-graph-attention-35158602285363 (READ-ONLY COPY).

The authoritative reference and input builder live on the scoring server;
editing this copy changes nothing except your own understanding.
"""

import jax, jax.numpy as jnp
import numpy as np

N = 10000
E = 160000
F = 256
U = 256
B = 1


def setup_inputs(seed: int = 0) -> dict:
    key = jax.random.key(seed)
    k_x, k_src, k_dst, k_w, k_a = jax.random.split(key, 5)
    x = jax.random.normal(k_x, (B, N, F), dtype=jnp.float32)
    # edges sorted by source column (required for the tf.repeat alignment trick)
    src = jnp.sort(jax.random.randint(k_src, (E,), 0, N, dtype=jnp.int32))
    dst = jax.random.randint(k_dst, (E,), 0, N, dtype=jnp.int32)
    edges = jnp.stack([src, dst], axis=1)  # [E, 2]
    W = jax.random.normal(k_w, (F, U), dtype=jnp.float32) * (1.0 / np.sqrt(F))
    a = jax.random.normal(k_a, (2 * U, 1), dtype=jnp.float32) * (1.0 / np.sqrt(2 * U))
    return {"inputs": x, "edges": edges, "W": W, "a": a}


def reference(inputs, edges, W, a):
    # inputs: [B, N, F]; edges: [E, 2] int32 sorted by col 0; W: [F, U]; a: [2U, 1]
    node_states = inputs
    # tf.squeeze(tf.matmul(tf.expand_dims(x, -2), W), -2) == x @ W per node
    node_states_transformed = jnp.einsum('bnf,fu->bnu', node_states, W)  # [B, N, U]
    # gather both endpoints: [B, E, 2, U] -> [B, E, 2U]
    node_states_expanded = jnp.take(node_states_transformed, edges, axis=1)
    node_states_expanded = node_states_expanded.reshape(-1, edges.shape[0], 2 * U)
    seg = edges[:, 0]
    num_neighborhood = jnp.bincount(seg, length=N)  # counts per source node
    # attention scores: leaky_relu (tf default alpha=0.2)
    attention_scores = jnp.squeeze(
        jax.nn.leaky_relu(node_states_expanded @ a, negative_slope=0.2), axis=-1
    )  # [B, E]
    attention_scores = jnp.exp(jnp.clip(attention_scores, -2.0, 2.0))
    # segment-sum per source node, then expand back to edges via repeat
    attention_scores_sum = jax.ops.segment_sum(
        jnp.transpose(attention_scores), seg, num_segments=N
    )  # [N, B]
    attention_scores_sum = jnp.repeat(
        attention_scores_sum, num_neighborhood, axis=0, total_repeat_length=E
    )  # [E, B]
    attention_scores_sum = jnp.transpose(attention_scores_sum)  # [B, E]
    attention_scores_norm = attention_scores / attention_scores_sum
    node_states_neighbors = jnp.take(node_states_transformed, edges[:, 1], axis=1)  # [B, E, U]
    data = jnp.transpose(
        node_states_neighbors * attention_scores_norm[:, :, None], (1, 0, 2)
    )  # [E, B, U]
    out = jax.ops.segment_sum(data, seg, num_segments=N)  # [N, B, U]
    return jnp.transpose(out, (1, 0, 2))  # [B, N, U]

if __name__ == "__main__":
    import jax
    _d = setup_inputs()
    print(jax.jit(kernel)(*tuple(_d.values())))

</pallas_src>

<mosaic_0001>
#map = affine_map<(d0, d1) -> (0, 0)>
#map1 = affine_map<(d0, d1) -> (0)>
module attributes {stable_mosaic.version = 14 : i64} {
  func.func @sc_edges(%arg0: i32, %arg1: i32, %arg2: memref<2x10000xf32, #tpu.memory_space<hbm>>, %arg3: memref<80896xi32, #tpu.memory_space<hbm>>, %arg4: memref<80896xi32, #tpu.memory_space<hbm>>, %arg5: memref<10000x128xi32, #tpu.memory_space<hbm>>, %arg6: memref<80896xf32, #tpu.memory_space<hbm>>, %arg7: memref<80896x128xi32, #tpu.memory_space<hbm>>, %arg8: memref<10000xf32, #tpu.memory_space<vmem>>, %arg9: memref<10000xf32, #tpu.memory_space<vmem>>, %arg10: memref<2528xi32, #tpu.memory_space<vmem>>, %arg11: memref<2528xi32, #tpu.memory_space<vmem>>, %arg12: memref<2528xf32, #tpu.memory_space<vmem>>, %arg13: memref<2x128x128xi32, #tpu.memory_space<vmem>>, %arg14: memref<2x!tpu.dma_semaphore, #tpu.memory_space<semaphore_mem>>) attributes {dimension_semantics = [#tpu.dimension_semantics<core_parallel>, #tpu.dimension_semantics<subcore_parallel>], iteration_bounds = array<i64: 2, 16>, scalar_prefetch = 0 : i64, scratch_operands = 7 : i64, tpu.core_type = #tpu.core_type<sc_vector_subcore>, window_params = [{transform_indices = #map}, {transform_indices = #map1}, {transform_indices = #map1}, {transform_indices = #map}, {transform_indices = #map1}, {transform_indices = #map}]} {
    %mul3A = arith.constant 2 : i32
    %mul3A_0 = arith.muli %arg1, %mul3A : i32
    %add3A = arith.addi %mul3A_0, %arg0 : i32
    %mul3A_1 = arith.constant 2528 : i32
    %mul3A_2 = arith.muli %add3A, %mul3A_1 : i32
    %run_scoped3A = arith.constant 0 : i32
    "tpu.region"() ({
      %run_scoped3A_84 = tpu.sem_alloc : memref<!tpu.dma_semaphore, #tpu.memory_space<semaphore_mem>>
      %dma_start3A_85 = arith.constant 0 : i32
      %dma_start3A_86 = tpu.memref_slice %arg2[%run_scoped3A, %dma_start3A_85] : memref<2x10000xf32, #tpu.memory_space<hbm>> -> memref<1x10000xf32, #tpu.memory_space<hbm>>
      %dma_start3A_87 = tpu.memref_squeeze %dma_start3A_86 : memref<1x10000xf32, #tpu.memory_space<hbm>> -> memref<10000xf32, #tpu.memory_space<hbm>>
      %dma_start3A_88 = arith.constant 0 : i32
      %dma_start3A_89 = tpu.memref_slice %arg2[%run_scoped3A, %dma_start3A_88] : memref<2x10000xf32, #tpu.memory_space<hbm>> -> memref<1x10000xf32, #tpu.memory_space<hbm>>
      %dma_start3A_90 = tpu.memref_squeeze %dma_start3A_89 : memref<1x10000xf32, #tpu.memory_space<hbm>> -> memref<10000xf32, #tpu.memory_space<hbm>>
      tpu.enqueue_dma source(%dma_start3A_90 : memref<10000xf32, #tpu.memory_space<hbm>>) target(%arg8 : memref<10000xf32, #tpu.memory_space<vmem>>) target_semaphore(%run_scoped3A_84 : memref<!tpu.dma_semaphore, #tpu.memory_space<semaphore_mem>>)
      %dma_wait3A_91 = arith.constant 0 : i32
      %dma_wait3A_92 = tpu.memref_slice %arg2[%run_scoped3A, %dma_wait3A_91] : memref<2x10000xf32, #tpu.memory_space<hbm>> -> memref<1x10000xf32, #tpu.memory_space<hbm>>
      %dma_wait3A_93 = tpu.memref_squeeze %dma_wait3A_92 : memref<1x10000xf32, #tpu.memory_space<hbm>> -> memref<10000xf32, #tpu.memory_space<hbm>>
      %dma_wait3A_94 = arith.constant 0 : i32
      %dma_wait3A_95 = tpu.memref_slice %arg2[%run_scoped3A, %dma_wait3A_94] : memref<2x10000xf32, #tpu.memory_space<hbm>> -> memref<1x10000xf32, #tpu.memory_space<hbm>>
      %dma_wait3A_96 = tpu.memref_squeeze %dma_wait3A_95 : memref<1x10000xf32, #tpu.memory_space<hbm>> -> memref<10000xf32, #tpu.memory_space<hbm>>
      tpu.wait_dma2 semaphore(%run_scoped3A_84 : memref<!tpu.dma_semaphore, #tpu.memory_space<semaphore_mem>>) src(%dma_wait3A_96 : memref<10000xf32, #tpu.memory_space<hbm>>) dst(%arg8 : memref<10000xf32, #tpu.memory_space<vmem>>)
      tpu.yield
    }) : () -> ()
    %run_scoped3A_3 = arith.constant 1 : i32
    "tpu.region"() ({
      %run_scoped3A_84 = tpu.sem_alloc : memref<!tpu.dma_semaphore, #tpu.memory_space<semaphore_mem>>
      %dma_start3A_85 = arith.constant 0 : i32
      %dma_start3A_86 = tpu.memref_slice %arg2[%run_scoped3A_3, %dma_start3A_85] : memref<2x10000xf32, #tpu.memory_space<hbm>> -> memref<1x10000xf32, #tpu.memory_space<hbm>>
      %dma_start3A_87 = tpu.memref_squeeze %dma_start3A_86 : memref<1x10000xf32, #tpu.memory_space<hbm>> -> memref<10000xf32, #tpu.memory_space<hbm>>
      %dma_start3A_88 = arith.constant 0 : i32
      %dma_start3A_89 = tpu.memref_slice %arg2[%run_scoped3A_3, %dma_start3A_88] : memref<2x10000xf32, #tpu.memory_space<hbm>> -> memref<1x10000xf32, #tpu.memory_space<hbm>>
      %dma_start3A_90 = tpu.memref_squeeze %dma_start3A_89 : memref<1x10000xf32, #tpu.memory_space<hbm>> -> memref<10000xf32, #tpu.memory_space<hbm>>
      tpu.enqueue_dma source(%dma_start3A_90 : memref<10000xf32, #tpu.memory_space<hbm>>) target(%arg9 : memref<10000xf32, #tpu.memory_space<vmem>>) target_semaphore(%run_scoped3A_84 : memref<!tpu.dma_semaphore, #tpu.memory_space<semaphore_mem>>)
      %dma_wait3A_91 = arith.constant 0 : i32
      %dma_wait3A_92 = tpu.memref_slice %arg2[%run_scoped3A_3, %dma_wait3A_91] : memref<2x10000xf32, #tpu.memory_space<hbm>> -> memref<1x10000xf32, #tpu.memory_space<hbm>>
      %dma_wait3A_93 = tpu.memref_squeeze %dma_wait3A_92 : memref<1x10000xf32, #tpu.memory_space<hbm>> -> memref<10000xf32, #tpu.memory_space<hbm>>
      %dma_wait3A_94 = arith.constant 0 : i32
      %dma_wait3A_95 = tpu.memref_slice %arg2[%run_scoped3A_3, %dma_wait3A_94] : memref<2x10000xf32, #tpu.memory_space<hbm>> -> memref<1x10000xf32, #tpu.memory_space<hbm>>
      %dma_wait3A_96 = tpu.memref_squeeze %dma_wait3A_95 : memref<1x10000xf32, #tpu.memory_space<hbm>> -> memref<10000xf32, #tpu.memory_space<hbm>>
      tpu.wait_dma2 semaphore(%run_scoped3A_84 : memref<!tpu.dma_semaphore, #tpu.memory_space<semaphore_mem>>) src(%dma_wait3A_96 : memref<10000xf32, #tpu.memory_space<hbm>>) dst(%arg9 : memref<10000xf32, #tpu.memory_space<vmem>>)
      tpu.yield
    }) : () -> ()
    "tpu.region"() ({
      %run_scoped3A_84 = tpu.sem_alloc : memref<!tpu.dma_semaphore, #tpu.memory_space<semaphore_mem>>
      %dma_start3A_85 = tpu.memref_slice %arg3[%mul3A_2] : memref<80896xi32, #tpu.memory_space<hbm>> -> memref<2528xi32, #tpu.memory_space<hbm>>
      %dma_start3A_86 = tpu.memref_slice %arg3[%mul3A_2] : memref<80896xi32, #tpu.memory_space<hbm>> -> memref<2528xi32, #tpu.memory_space<hbm>>
      tpu.enqueue_dma source(%dma_start3A_86 : memref<2528xi32, #tpu.memory_space<hbm>>) target(%arg10 : memref<2528xi32, #tpu.memory_space<vmem>>) target_semaphore(%run_scoped3A_84 : memref<!tpu.dma_semaphore, #tpu.memory_space<semaphore_mem>>)
      %dma_wait3A_87 = tpu.memref_slice %arg3[%mul3A_2] : memref<80896xi32, #tpu.memory_space<hbm>> -> memref<2528xi32, #tpu.memory_space<hbm>>
      %dma_wait3A_88 = tpu.memref_slice %arg3[%mul3A_2] : memref<80896xi32, #tpu.memory_space<hbm>> -> memref<2528xi32, #tpu.memory_space<hbm>>
      tpu.wait_dma2 semaphore(%run_scoped3A_84 : memref<!tpu.dma_semaphore, #tpu.memory_space<semaphore_mem>>) src(%dma_wait3A_88 : memref<2528xi32, #tpu.memory_space<hbm>>) dst(%arg10 : memref<2528xi32, #tpu.memory_space<vmem>>)
      tpu.yield
    }) : () -> ()
    "tpu.region"() ({
      %run_scoped3A_84 = tpu.sem_alloc : memref<!tpu.dma_semaphore, #tpu.memory_space<semaphore_mem>>
      %dma_start3A_85 = tpu.memref_slice %arg4[%mul3A_2] : memref<80896xi32, #tpu.memory_space<hbm>> -> memref<2528xi32, #tpu.memory_space<hbm>>
      %dma_start3A_86 = tpu.memref_slice %arg4[%mul3A_2] : memref<80896xi32, #tpu.memory_space<hbm>> -> memref<2528xi32, #tpu.memory_space<hbm>>
      tpu.enqueue_dma source(%dma_start3A_86 : memref<2528xi32, #tpu.memory_space<hbm>>) target(%arg11 : memref<2528xi32, #tpu.memory_space<vmem>>) target_semaphore(%run_scoped3A_84 : memref<!tpu.dma_semaphore, #tpu.memory_space<semaphore_mem>>)
      %dma_wait3A_87 = tpu.memref_slice %arg4[%mul3A_2] : memref<80896xi32, #tpu.memory_space<hbm>> -> memref<2528xi32, #tpu.memory_space<hbm>>
      %dma_wait3A_88 = tpu.memref_slice %arg4[%mul3A_2] : memref<80896xi32, #tpu.memory_space<hbm>> -> memref<2528xi32, #tpu.memory_space<hbm>>
      tpu.wait_dma2 semaphore(%run_scoped3A_84 : memref<!tpu.dma_semaphore, #tpu.memory_space<semaphore_mem>>) src(%dma_wait3A_88 : memref<2528xi32, #tpu.memory_space<hbm>>) dst(%arg11 : memref<2528xi32, #tpu.memory_space<vmem>>)
      tpu.yield
    }) : () -> ()
    %scan3A = arith.constant 0 : i32
    %scan3A_4 = arith.constant 0 : i32
    %scan3A_5 = arith.constant 158 : i32
    %scan3A_6 = arith.addi %scan3A_4, %scan3A_5 : i32
    %scan3A_7 = arith.constant 1 : i32
    scf.for %scan3A_84 = %scan3A_4 to %scan3A_6 step %scan3A_7  : i32 {
      %mul3A_85 = arith.constant 16 : i32
      %mul3A_86 = arith.muli %scan3A_84, %mul3A_85 : i32
      %get3A = arith.index_cast %mul3A_86 : i32 to index
      %get3A_87 = tpu.vector_load %arg10[%get3A] {strides = array<i32>} : memref<2528xi32, #tpu.memory_space<vmem>>, vector<16xi32>,
      %get3A_88 = arith.index_cast %mul3A_86 : i32 to index
      %get3A_89 = tpu.vector_load %arg11[%get3A_88] {strides = array<i32>} : memref<2528xi32, #tpu.memory_space<vmem>>, vector<16xi32>,
      %gather3A = tpu.vector_load_idx %arg8[%get3A_87] : memref<10000xf32, #tpu.memory_space<vmem>>[vector<16xi32>], vector<16xf32>,
      %gather3A_90 = tpu.vector_load_idx %arg9[%get3A_89] : memref<10000xf32, #tpu.memory_space<vmem>>[vector<16xi32>], vector<16xf32>,
      %add3A_91 = arith.addf %gather3A, %gather3A_90 : vector<16xf32>
      %mul3A_92 = arith.constant 2.000000e-01 : f32
      %mul3A_93 = vector.broadcast %mul3A_92 : f32 to vector<16xf32>
      %mul3A_94 = arith.mulf %mul3A_93, %add3A_91 : vector<16xf32>
      %max3A = arith.maximumf %add3A_91, %mul3A_94 : vector<16xf32>
      %jit3A = arith.constant -2.000000e+00 : f32
      %jit3A_95 = arith.constant 2.000000e+00 : f32
      %max3A_96 = vector.broadcast %jit3A : f32 to vector<16xf32>
      %max3A_97 = arith.maximumf %max3A_96, %max3A : vector<16xf32>
      %min3A = vector.broadcast %jit3A_95 : f32 to vector<16xf32>
      %min3A_98 = arith.minimumf %min3A, %max3A_97 : vector<16xf32>
      %exp3A = math.exp %min3A_98 : vector<16xf32>
      %add3A_99 = arith.addi %mul3A_2, %mul3A_86 : i32
      %iota3A = tpu.iota {dimensions = array<i32: 0>} : vector<16xi32>
      %add3A_100 = vector.broadcast %add3A_99 : i32 to vector<16xi32>
      %add3A_101 = arith.addi %add3A_100, %iota3A : vector<16xi32>
      %lt3A = arith.constant 80128 : i32
      %lt3A_102 = vector.broadcast %lt3A : i32 to vector<16xi32>
      %lt3A_103 = arith.cmpi slt, %add3A_101, %lt3A_102 : vector<16xi32>
      %jit3A_104 = arith.constant 0.000000e+00 : f32
      %broadcast_in_dim3A = vector.broadcast %jit3A_104 : f32 to vector<16xf32>
      %select_n3A = arith.select %lt3A_103, %exp3A, %broadcast_in_dim3A : vector<16xi1>, vector<16xf32>
      %swap3A = arith.index_cast %mul3A_86 : i32 to index
      %swap3A_105 = tpu.vector_load %arg12[%swap3A] {strides = array<i32>} : memref<2528xf32, #tpu.memory_space<vmem>>, vector<16xf32>,
      tpu.vector_store %arg12[%swap3A], %select_n3A {strides = array<i32>} : memref<2528xf32, #tpu.memory_space<vmem>>, vector<16xf32>,
    }
    %scan3A_8 = arith.constant 158 : i32
    "tpu.region"() ({
      %run_scoped3A_84 = tpu.sem_alloc : memref<!tpu.dma_semaphore, #tpu.memory_space<semaphore_mem>>
      %dma_start3A_85 = tpu.memref_slice %arg6[%mul3A_2] : memref<80896xf32, #tpu.memory_space<hbm>> -> memref<2528xf32, #tpu.memory_space<hbm>>
      %dma_start3A_86 = tpu.memref_slice %arg6[%mul3A_2] : memref<80896xf32, #tpu.memory_space<hbm>> -> memref<2528xf32, #tpu.memory_space<hbm>>
      tpu.enqueue_dma source(%arg12 : memref<2528xf32, #tpu.memory_space<vmem>>) target(%dma_start3A_86 : memref<2528xf32, #tpu.memory_space<hbm>>) target_semaphore(%run_scoped3A_84 : memref<!tpu.dma_semaphore, #tpu.memory_space<semaphore_mem>>)
      %dma_wait3A_87 = tpu.memref_slice %arg6[%mul3A_2] : memref<80896xf32, #tpu.memory_space<hbm>> -> memref<2528xf32, #tpu.memory_space<hbm>>
      %dma_wait3A_88 = tpu.memref_slice %arg6[%mul3A_2] : memref<80896xf32, #tpu.memory_space<hbm>> -> memref<2528xf32, #tpu.memory_space<hbm>>
      tpu.wait_dma2 semaphore(%run_scoped3A_84 : memref<!tpu.dma_semaphore, #tpu.memory_space<semaphore_mem>>) src(%arg12 : memref<2528xf32, #tpu.memory_space<vmem>>) dst(%dma_wait3A_88 : memref<2528xf32, #tpu.memory_space<hbm>>)
      tpu.yield
    }) : () -> ()
    %dma_start3A = arith.constant 0 : i32
    %dma_start3A_9 = arith.constant 0 : i32
    %dma_start3A_10 = arith.constant 0 : i32
    %dma_start3A_11 = arith.constant 0 : i32
    %dma_start3A_12 = tpu.memref_slice %arg13[%dma_start3A, %dma_start3A_10, %dma_start3A_11] : memref<2x128x128xi32, #tpu.memory_space<vmem>> -> memref<1x128x128xi32, #tpu.memory_space<vmem>>
    %dma_start3A_13 = tpu.memref_squeeze %dma_start3A_12 : memref<1x128x128xi32, #tpu.memory_space<vmem>> -> memref<128x128xi32, #tpu.memory_space<vmem>>
    %dma_start3A_14 = arith.constant 0 : i32
    %dma_start3A_15 = tpu.memref_slice %arg11[%dma_start3A_14] : memref<2528xi32, #tpu.memory_space<vmem>> -> memref<128xi32, #tpu.memory_space<vmem>>
    %dma_start3A_16 = arith.constant 0 : i32
    %dma_start3A_17 = arith.constant 0 : i32
    %dma_start3A_18 = tpu.memref_slice %arg5[%dma_start3A_16, %dma_start3A_17] : memref<10000x128xi32, #tpu.memory_space<hbm>> -> memref<10000x128xi32, #tpu.memory_space<hbm>>
    %dma_start3A_19 = tpu.memref_slice %arg14[%dma_start3A_9] : memref<2x!tpu.dma_semaphore, #tpu.memory_space<semaphore_mem>> -> memref<1x!tpu.dma_semaphore, #tpu.memory_space<semaphore_mem>>
    %dma_start3A_20 = tpu.memref_squeeze %dma_start3A_19 : memref<1x!tpu.dma_semaphore, #tpu.memory_space<semaphore_mem>> -> memref<!tpu.dma_semaphore, #tpu.memory_space<semaphore_mem>>
    tpu.enqueue_indirect_dma source(%dma_start3A_18 : memref<10000x128xi32, #tpu.memory_space<hbm>>) target(%dma_start3A_13 : memref<128x128xi32, #tpu.memory_space<vmem>>) offsets(%dma_start3A_15 : memref<128xi32, #tpu.memory_space<vmem>>) semaphore(%dma_start3A_20 : memref<!tpu.dma_semaphore, #tpu.memory_space<semaphore_mem>>)
    %dma_start3A_21 = arith.constant 1 : i32
    %dma_start3A_22 = arith.constant 1 : i32
    %dma_start3A_23 = arith.constant 0 : i32
    %dma_start3A_24 = arith.constant 0 : i32
    %dma_start3A_25 = tpu.memref_slice %arg13[%dma_start3A_21, %dma_start3A_23, %dma_start3A_24] : memref<2x128x128xi32, #tpu.memory_space<vmem>> -> memref<1x128x128xi32, #tpu.memory_space<vmem>>
    %dma_start3A_26 = tpu.memref_squeeze %dma_start3A_25 : memref<1x128x128xi32, #tpu.memory_space<vmem>> -> memref<128x128xi32, #tpu.memory_space<vmem>>
    %dma_start3A_27 = arith.constant 128 : i32
    %dma_start3A_28 = tpu.memref_slice %arg11[%dma_start3A_27] : memref<2528xi32, #tpu.memory_space<vmem>> -> memref<128xi32, #tpu.memory_space<vmem>>
    %dma_start3A_29 = arith.constant 0 : i32
    %dma_start3A_30 = arith.constant 0 : i32
    %dma_start3A_31 = tpu.memref_slice %arg5[%dma_start3A_29, %dma_start3A_30] : memref<10000x128xi32, #tpu.memory_space<hbm>> -> memref<10000x128xi32, #tpu.memory_space<hbm>>
    %dma_start3A_32 = tpu.memref_slice %arg14[%dma_start3A_22] : memref<2x!tpu.dma_semaphore, #tpu.memory_space<semaphore_mem>> -> memref<1x!tpu.dma_semaphore, #tpu.memory_space<semaphore_mem>>
    %dma_start3A_33 = tpu.memref_squeeze %dma_start3A_32 : memref<1x!tpu.dma_semaphore, #tpu.memory_space<semaphore_mem>> -> memref<!tpu.dma_semaphore, #tpu.memory_space<semaphore_mem>>
    tpu.enqueue_indirect_dma source(%dma_start3A_31 : memref<10000x128xi32, #tpu.memory_space<hbm>>) target(%dma_start3A_26 : memref<128x128xi32, #tpu.memory_space<vmem>>) offsets(%dma_start3A_28 : memref<128xi32, #tpu.memory_space<vmem>>) semaphore(%dma_start3A_33 : memref<!tpu.dma_semaphore, #tpu.memory_space<semaphore_mem>>)
    %scan3A_34 = arith.constant 0 : i32
    %scan3A_35 = arith.constant 0 : i32
    %scan3A_36 = arith.constant 9 : i32
    %scan3A_37 = arith.addi %scan3A_35, %scan3A_36 : i32
    %scan3A_38 = arith.constant 1 : i32
    scf.for %scan3A_84 = %scan3A_35 to %scan3A_37 step %scan3A_38  : i32 {
      %mul3A_85 = arith.constant 2 : i32
      %mul3A_86 = arith.muli %scan3A_84, %mul3A_85 : i32
      %add3A_87 = arith.constant 0 : i32
      %add3A_88 = arith.addi %mul3A_86, %add3A_87 : i32
      %mul3A_89 = arith.constant 128 : i32
      %mul3A_90 = arith.muli %add3A_88, %mul3A_89 : i32
      %dma_wait3A_91 = arith.constant 0 : i32
      %dma_wait3A_92 = arith.constant 0 : i32
      %dma_wait3A_93 = arith.constant 0 : i32
      %dma_wait3A_94 = arith.constant 0 : i32
      %dma_wait3A_95 = tpu.memref_slice %arg13[%dma_wait3A_91, %dma_wait3A_93, %dma_wait3A_94] : memref<2x128x128xi32, #tpu.memory_space<vmem>> -> memref<1x128x128xi32, #tpu.memory_space<vmem>>
      %dma_wait3A_96 = tpu.memref_squeeze %dma_wait3A_95 : memref<1x128x128xi32, #tpu.memory_space<vmem>> -> memref<128x128xi32, #tpu.memory_space<vmem>>
      %dma_wait3A_97 = tpu.memref_slice %arg11[%mul3A_90] : memref<2528xi32, #tpu.memory_space<vmem>> -> memref<128xi32, #tpu.memory_space<vmem>>
      %dma_wait3A_98 = arith.constant 0 : i32
      %dma_wait3A_99 = arith.constant 0 : i32
      %dma_wait3A_100 = tpu.memref_slice %arg5[%dma_wait3A_98, %dma_wait3A_99] : memref<10000x128xi32, #tpu.memory_space<hbm>> -> memref<10000x128xi32, #tpu.memory_space<hbm>>
      %dma_wait3A_101 = tpu.memref_slice %arg14[%dma_wait3A_92] : memref<2x!tpu.dma_semaphore, #tpu.memory_space<semaphore_mem>> -> memref<1x!tpu.dma_semaphore, #tpu.memory_space<semaphore_mem>>
      %dma_wait3A_102 = tpu.memref_squeeze %dma_wait3A_101 : memref<1x!tpu.dma_semaphore, #tpu.memory_space<semaphore_mem>> -> memref<!tpu.dma_semaphore, #tpu.memory_space<semaphore_mem>>
      tpu.wait_indirect_dma semaphore(%dma_wait3A_102 : memref<!tpu.dma_semaphore, #tpu.memory_space<semaphore_mem>>) src(%dma_wait3A_100 : memref<10000x128xi32, #tpu.memory_space<hbm>>) dst(%dma_wait3A_96 : memref<128x128xi32, #tpu.memory_space<vmem>>)
      %mul3A_103 = arith.constant 128 : i32
      %mul3A_104 = arith.muli %add3A_88, %mul3A_103 : i32
      %add3A_105 = arith.addi %mul3A_2, %mul3A_104 : i32
      %run_scoped3A_106 = arith.constant 0 : i32
      "tpu.region"() ({
        %run_scoped3A_138 = tpu.sem_alloc : memref<!tpu.dma_semaphore, #tpu.memory_space<semaphore_mem>>
        %dma_start3A_139 = arith.constant 0 : i32
        %dma_start3A_140 = arith.constant 0 : i32
        %dma_start3A_141 = tpu.memref_slice %arg13[%run_scoped3A_106, %dma_start3A_139, %dma_start3A_140] : memref<2x128x128xi32, #tpu.memory_space<vmem>> -> memref<1x128x128xi32, #tpu.memory_space<vmem>>
        %dma_start3A_142 = tpu.memref_squeeze %dma_start3A_141 : memref<1x128x128xi32, #tpu.memory_space<vmem>> -> memref<128x128xi32, #tpu.memory_space<vmem>>
        %dma_start3A_143 = arith.constant 0 : i32
        %dma_start3A_144 = tpu.memref_slice %arg7[%add3A_105, %dma_start3A_143] : memref<80896x128xi32, #tpu.memory_space<hbm>> -> memref<128x128xi32, #tpu.memory_space<hbm>>
        %dma_start3A_145 = arith.constant 0 : i32
        %dma_start3A_146 = tpu.memref_slice %arg7[%add3A_105, %dma_start3A_145] : memref<80896x128xi32, #tpu.memory_space<hbm>> -> memref<128x128xi32, #tpu.memory_space<hbm>>
        %dma_start3A_147 = arith.constant 0 : i32
        %dma_start3A_148 = arith.constant 0 : i32
        %dma_start3A_149 = tpu.memref_slice %arg13[%run_scoped3A_106, %dma_start3A_147, %dma_start3A_148] : memref<2x128x128xi32, #tpu.memory_space<vmem>> -> memref<1x128x128xi32, #tpu.memory_space<vmem>>
        %dma_start3A_150 = tpu.memref_squeeze %dma_start3A_149 : memref<1x128x128xi32, #tpu.memory_space<vmem>> -> memref<128x128xi32, #tpu.memory_space<vmem>>
        tpu.enqueue_dma source(%dma_start3A_150 : memref<128x128xi32, #tpu.memory_space<vmem>>) target(%dma_start3A_146 : memref<128x128xi32, #tpu.memory_space<hbm>>) target_semaphore(%run_scoped3A_138 : memref<!tpu.dma_semaphore, #tpu.memory_space<semaphore_mem>>)
        %dma_wait3A_151 = arith.constant 0 : i32
        %dma_wait3A_152 = arith.constant 0 : i32
        %dma_wait3A_153 = tpu.memref_slice %arg13[%run_scoped3A_106, %dma_wait3A_151, %dma_wait3A_152] : memref<2x128x128xi32, #tpu.memory_space<vmem>> -> memref<1x128x128xi32, #tpu.memory_space<vmem>>
        %dma_wait3A_154 = tpu.memref_squeeze %dma_wait3A_153 : memref<1x128x128xi32, #tpu.memory_space<vmem>> -> memref<128x128xi32, #tpu.memory_space<vmem>>
        %dma_wait3A_155 = arith.constant 0 : i32
        %dma_wait3A_156 = tpu.memref_slice %arg7[%add3A_105, %dma_wait3A_155] : memref<80896x128xi32, #tpu.memory_space<hbm>> -> memref<128x128xi32, #tpu.memory_space<hbm>>
        %dma_wait3A_157 = arith.constant 0 : i32
        %dma_wait3A_158 = tpu.memref_slice %arg7[%add3A_105, %dma_wait3A_157] : memref<80896x128xi32, #tpu.memory_space<hbm>> -> memref<128x128xi32, #tpu.memory_space<hbm>>
        %dma_wait3A_159 = arith.constant 0 : i32
        %dma_wait3A_160 = arith.constant 0 : i32
        %dma_wait3A_161 = tpu.memref_slice %arg13[%run_scoped3A_106, %dma_wait3A_159, %dma_wait3A_160] : memref<2x128x128xi32, #tpu.memory_space<vmem>> -> memref<1x128x128xi32, #tpu.memory_space<vmem>>
        %dma_wait3A_162 = tpu.memref_squeeze %dma_wait3A_161 : memref<1x128x128xi32, #tpu.memory_space<vmem>> -> memref<128x128xi32, #tpu.memory_space<vmem>>
        tpu.wait_dma2 semaphore(%run_scoped3A_138 : memref<!tpu.dma_semaphore, #tpu.memory_space<semaphore_mem>>) src(%dma_wait3A_162 : memref<128x128xi32, #tpu.memory_space<vmem>>) dst(%dma_wait3A_158 : memref<128x128xi32, #tpu.memory_space<hbm>>)
        tpu.yield
      }) : () -> ()
      %add3A_107 = arith.constant 2 : i32
      %add3A_108 = arith.addi %add3A_88, %add3A_107 : i32
      %lt3A = arith.constant 19 : i32
      %lt3A_109 = arith.cmpi slt, %add3A_108, %lt3A : i32
      %convert_element_type3A = arith.extui %lt3A_109 : i1 to i32
      %cond3A = arith.constant 0 : i32
      %cond3A_110 = arith.cmpi ne, %convert_element_type3A, %cond3A : i32
      scf.if %cond3A_110 {
        %mul3A_138 = arith.constant 128 : i32
        %mul3A_139 = arith.muli %add3A_108, %mul3A_138 : i32
        %dma_start3A_140 = arith.constant 0 : i32
        %dma_start3A_141 = arith.constant 0 : i32
        %dma_start3A_142 = arith.constant 0 : i32
        %dma_start3A_143 = arith.constant 0 : i32
        %dma_start3A_144 = tpu.memref_slice %arg13[%dma_start3A_140, %dma_start3A_142, %dma_start3A_143] : memref<2x128x128xi32, #tpu.memory_space<vmem>> -> memref<1x128x128xi32, #tpu.memory_space<vmem>>
        %dma_start3A_145 = tpu.memref_squeeze %dma_start3A_144 : memref<1x128x128xi32, #tpu.memory_space<vmem>> -> memref<128x128xi32, #tpu.memory_space<vmem>>
        %dma_start3A_146 = tpu.memref_slice %arg11[%mul3A_139] : memref<2528xi32, #tpu.memory_space<vmem>> -> memref<128xi32, #tpu.memory_space<vmem>>
        %dma_start3A_147 = arith.constant 0 : i32
        %dma_start3A_148 = arith.constant 0 : i32
        %dma_start3A_149 = tpu.memref_slice %arg5[%dma_start3A_147, %dma_start3A_148] : memref<10000x128xi32, #tpu.memory_space<hbm>> -> memref<10000x128xi32, #tpu.memory_space<hbm>>
        %dma_start3A_150 = tpu.memref_slice %arg14[%dma_start3A_141] : memref<2x!tpu.dma_semaphore, #tpu.memory_space<semaphore_mem>> -> memref<1x!tpu.dma_semaphore, #tpu.memory_space<semaphore_mem>>
        %dma_start3A_151 = tpu.memref_squeeze %dma_start3A_150 : memref<1x!tpu.dma_semaphore, #tpu.memory_space<semaphore_mem>> -> memref<!tpu.dma_semaphore, #tpu.memory_space<semaphore_mem>>
        tpu.enqueue_indirect_dma source(%dma_start3A_149 : memref<10000x128xi32, #tpu.memory_space<hbm>>) target(%dma_start3A_145 : memref<128x128xi32, #tpu.memory_space<vmem>>) offsets(%dma_start3A_146 : memref<128xi32, #tpu.memory_space<vmem>>) semaphore(%dma_start3A_151 : memref<!tpu.dma_semaphore, #tpu.memory_space<semaphore_mem>>)
      } else {
      }
      %add3A_111 = arith.constant 1 : i32
      %add3A_112 = arith.addi %mul3A_86, %add3A_111 : i32
      %mul3A_113 = arith.constant 128 : i32
      %mul3A_114 = arith.muli %add3A_112, %mul3A_113 : i32
      %dma_wait3A_115 = arith.constant 1 : i32
      %dma_wait3A_116 = arith.constant 1 : i32
      %dma_wait3A_117 = arith.constant 0 : i32
      %dma_wait3A_118 = arith.constant 0 : i32
      %dma_wait3A_119 = tpu.memref_slice %arg13[%dma_wait3A_115, %dma_wait3A_117, %dma_wait3A_118] : memref<2x128x128xi32, #tpu.memory_space<vmem>> -> memref<1x128x128xi32, #tpu.memory_space<vmem>>
      %dma_wait3A_120 = tpu.memref_squeeze %dma_wait3A_119 : memref<1x128x128xi32, #tpu.memory_space<vmem>> -> memref<128x128xi32, #tpu.memory_space<vmem>>
      %dma_wait3A_121 = tpu.memref_slice %arg11[%mul3A_114] : memref<2528xi32, #tpu.memory_space<vmem>> -> memref<128xi32, #tpu.memory_space<vmem>>
      %dma_wait3A_122 = arith.constant 0 : i32
      %dma_wait3A_123 = arith.constant 0 : i32
      %dma_wait3A_124 = tpu.memref_slice %arg5[%dma_wait3A_122, %dma_wait3A_123] : memref<10000x128xi32, #tpu.memory_space<hbm>> -> memref<10000x128xi32, #tpu.memory_space<hbm>>
      %dma_wait3A_125 = tpu.memref_slice %arg14[%dma_wait3A_116] : memref<2x!tpu.dma_semaphore, #tpu.memory_space<semaphore_mem>> -> memref<1x!tpu.dma_semaphore, #tpu.memory_space<semaphore_mem>>
      %dma_wait3A_126 = tpu.memref_squeeze %dma_wait3A_125 : memref<1x!tpu.dma_semaphore, #tpu.memory_space<semaphore_mem>> -> memref<!tpu.dma_semaphore, #tpu.memory_space<semaphore_mem>>
      tpu.wait_indirect_dma semaphore(%dma_wait3A_126 : memref<!tpu.dma_semaphore, #tpu.memory_space<semaphore_mem>>) src(%dma_wait3A_124 : memref<10000x128xi32, #tpu.memory_space<hbm>>) dst(%dma_wait3A_120 : memref<128x128xi32, #tpu.memory_space<vmem>>)
      %mul3A_127 = arith.constant 128 : i32
      %mul3A_128 = arith.muli %add3A_112, %mul3A_127 : i32
      %add3A_129 = arith.addi %mul3A_2, %mul3A_128 : i32
      %run_scoped3A_130 = arith.constant 1 : i32
      "tpu.region"() ({
        %run_scoped3A_138 = tpu.sem_alloc : memref<!tpu.dma_semaphore, #tpu.memory_space<semaphore_mem>>
        %dma_start3A_139 = arith.constant 0 : i32
        %dma_start3A_140 = arith.constant 0 : i32
        %dma_start3A_141 = tpu.memref_slice %arg13[%run_scoped3A_130, %dma_start3A_139, %dma_start3A_140] : memref<2x128x128xi32, #tpu.memory_space<vmem>> -> memref<1x128x128xi32, #tpu.memory_space<vmem>>
        %dma_start3A_142 = tpu.memref_squeeze %dma_start3A_141 : memref<1x128x128xi32, #tpu.memory_space<vmem>> -> memref<128x128xi32, #tpu.memory_space<vmem>>
        %dma_start3A_143 = arith.constant 0 : i32
        %dma_start3A_144 = tpu.memref_slice %arg7[%add3A_129, %dma_start3A_143] : memref<80896x128xi32, #tpu.memory_space<hbm>> -> memref<128x128xi32, #tpu.memory_space<hbm>>
        %dma_start3A_145 = arith.constant 0 : i32
        %dma_start3A_146 = tpu.memref_slice %arg7[%add3A_129, %dma_start3A_145] : memref<80896x128xi32, #tpu.memory_space<hbm>> -> memref<128x128xi32, #tpu.memory_space<hbm>>
        %dma_start3A_147 = arith.constant 0 : i32
        %dma_start3A_148 = arith.constant 0 : i32
        %dma_start3A_149 = tpu.memref_slice %arg13[%run_scoped3A_130, %dma_start3A_147, %dma_start3A_148] : memref<2x128x128xi32, #tpu.memory_space<vmem>> -> memref<1x128x128xi32, #tpu.memory_space<vmem>>
        %dma_start3A_150 = tpu.memref_squeeze %dma_start3A_149 : memref<1x128x128xi32, #tpu.memory_space<vmem>> -> memref<128x128xi32, #tpu.memory_space<vmem>>
        tpu.enqueue_dma source(%dma_start3A_150 : memref<128x128xi32, #tpu.memory_space<vmem>>) target(%dma_start3A_146 : memref<128x128xi32, #tpu.memory_space<hbm>>) target_semaphore(%run_scoped3A_138 : memref<!tpu.dma_semaphore, #tpu.memory_space<semaphore_mem>>)
        %dma_wait3A_151 = arith.constant 0 : i32
        %dma_wait3A_152 = arith.constant 0 : i32
        %dma_wait3A_153 = tpu.memref_slice %arg13[%run_scoped3A_130, %dma_wait3A_151, %dma_wait3A_152] : memref<2x128x128xi32, #tpu.memory_space<vmem>> -> memref<1x128x128xi32, #tpu.memory_space<vmem>>
        %dma_wait3A_154 = tpu.memref_squeeze %dma_wait3A_153 : memref<1x128x128xi32, #tpu.memory_space<vmem>> -> memref<128x128xi32, #tpu.memory_space<vmem>>
        %dma_wait3A_155 = arith.constant 0 : i32
        %dma_wait3A_156 = tpu.memref_slice %arg7[%add3A_129, %dma_wait3A_155] : memref<80896x128xi32, #tpu.memory_space<hbm>> -> memref<128x128xi32, #tpu.memory_space<hbm>>
        %dma_wait3A_157 = arith.constant 0 : i32
        %dma_wait3A_158 = tpu.memref_slice %arg7[%add3A_129, %dma_wait3A_157] : memref<80896x128xi32, #tpu.memory_space<hbm>> -> memref<128x128xi32, #tpu.memory_space<hbm>>
        %dma_wait3A_159 = arith.constant 0 : i32
        %dma_wait3A_160 = arith.constant 0 : i32
        %dma_wait3A_161 = tpu.memref_slice %arg13[%run_scoped3A_130, %dma_wait3A_159, %dma_wait3A_160] : memref<2x128x128xi32, #tpu.memory_space<vmem>> -> memref<1x128x128xi32, #tpu.memory_space<vmem>>
        %dma_wait3A_162 = tpu.memref_squeeze %dma_wait3A_161 : memref<1x128x128xi32, #tpu.memory_space<vmem>> -> memref<128x128xi32, #tpu.memory_space<vmem>>
        tpu.wait_dma2 semaphore(%run_scoped3A_138 : memref<!tpu.dma_semaphore, #tpu.memory_space<semaphore_mem>>) src(%dma_wait3A_162 : memref<128x128xi32, #tpu.memory_space<vmem>>) dst(%dma_wait3A_158 : memref<128x128xi32, #tpu.memory_space<hbm>>)
        tpu.yield
      }) : () -> ()
      %add3A_131 = arith.constant 2 : i32
      %add3A_132 = arith.addi %add3A_112, %add3A_131 : i32
      %lt3A_133 = arith.constant 19 : i32
      %lt3A_134 = arith.cmpi slt, %add3A_132, %lt3A_133 : i32
      %convert_element_type3A_135 = arith.extui %lt3A_134 : i1 to i32
      %cond3A_136 = arith.constant 0 : i32
      %cond3A_137 = arith.cmpi ne, %convert_element_type3A_135, %cond3A_136 : i32
      scf.if %cond3A_137 {
        %mul3A_138 = arith.constant 128 : i32
        %mul3A_139 = arith.muli %add3A_132, %mul3A_138 : i32
        %dma_start3A_140 = arith.constant 1 : i32
        %dma_start3A_141 = arith.constant 1 : i32
        %dma_start3A_142 = arith.constant 0 : i32
        %dma_start3A_143 = arith.constant 0 : i32
        %dma_start3A_144 = tpu.memref_slice %arg13[%dma_start3A_140, %dma_start3A_142, %dma_start3A_143] : memref<2x128x128xi32, #tpu.memory_space<vmem>> -> memref<1x128x128xi32, #tpu.memory_space<vmem>>
        %dma_start3A_145 = tpu.memref_squeeze %dma_start3A_144 : memref<1x128x128xi32, #tpu.memory_space<vmem>> -> memref<128x128xi32, #tpu.memory_space<vmem>>
        %dma_start3A_146 = tpu.memref_slice %arg11[%mul3A_139] : memref<2528xi32, #tpu.memory_space<vmem>> -> memref<128xi32, #tpu.memory_space<vmem>>
        %dma_start3A_147 = arith.constant 0 : i32
        %dma_start3A_148 = arith.constant 0 : i32
        %dma_start3A_149 = tpu.memref_slice %arg5[%dma_start3A_147, %dma_start3A_148] : memref<10000x128xi32, #tpu.memory_space<hbm>> -> memref<10000x128xi32, #tpu.memory_space<hbm>>
        %dma_start3A_150 = tpu.memref_slice %arg14[%dma_start3A_141] : memref<2x!tpu.dma_semaphore, #tpu.memory_space<semaphore_mem>> -> memref<1x!tpu.dma_semaphore, #tpu.memory_space<semaphore_mem>>
        %dma_start3A_151 = tpu.memref_squeeze %dma_start3A_150 : memref<1x!tpu.dma_semaphore, #tpu.memory_space<semaphore_mem>> -> memref<!tpu.dma_semaphore, #tpu.memory_space<semaphore_mem>>
        tpu.enqueue_indirect_dma source(%dma_start3A_149 : memref<10000x128xi32, #tpu.memory_space<hbm>>) target(%dma_start3A_145 : memref<128x128xi32, #tpu.memory_space<vmem>>) offsets(%dma_start3A_146 : memref<128xi32, #tpu.memory_space<vmem>>) semaphore(%dma_start3A_151 : memref<!tpu.dma_semaphore, #tpu.memory_space<semaphore_mem>>)
      } else {
      }
    }
    %scan3A_39 = arith.constant 9 : i32
    %dma_wait3A = arith.constant 0 : i32
    %dma_wait3A_40 = arith.constant 0 : i32
    %dma_wait3A_41 = arith.constant 0 : i32
    %dma_wait3A_42 = arith.constant 0 : i32
    %dma_wait3A_43 = tpu.memref_slice %arg13[%dma_wait3A, %dma_wait3A_41, %dma_wait3A_42] : memref<2x128x128xi32, #tpu.memory_space<vmem>> -> memref<1x128x128xi32, #tpu.memory_space<vmem>>
    %dma_wait3A_44 = tpu.memref_squeeze %dma_wait3A_43 : memref<1x128x128xi32, #tpu.memory_space<vmem>> -> memref<128x128xi32, #tpu.memory_space<vmem>>
    %dma_wait3A_45 = arith.constant 2304 : i32
    %dma_wait3A_46 = tpu.memref_slice %arg11[%dma_wait3A_45] : memref<2528xi32, #tpu.memory_space<vmem>> -> memref<128xi32, #tpu.memory_space<vmem>>
    %dma_wait3A_47 = arith.constant 0 : i32
    %dma_wait3A_48 = arith.constant 0 : i32
    %dma_wait3A_49 = tpu.memref_slice %arg5[%dma_wait3A_47, %dma_wait3A_48] : memref<10000x128xi32, #tpu.memory_space<hbm>> -> memref<10000x128xi32, #tpu.memory_space<hbm>>
    %dma_wait3A_50 = tpu.memref_slice %arg14[%dma_wait3A_40] : memref<2x!tpu.dma_semaphore, #tpu.memory_space<semaphore_mem>> -> memref<1x!tpu.dma_semaphore, #tpu.memory_space<semaphore_mem>>
    %dma_wait3A_51 = tpu.memref_squeeze %dma_wait3A_50 : memref<1x!tpu.dma_semaphore, #tpu.memory_space<semaphore_mem>> -> memref<!tpu.dma_semaphore, #tpu.memory_space<semaphore_mem>>
    tpu.wait_indirect_dma semaphore(%dma_wait3A_51 : memref<!tpu.dma_semaphore, #tpu.memory_space<semaphore_mem>>) src(%dma_wait3A_49 : memref<10000x128xi32, #tpu.memory_space<hbm>>) dst(%dma_wait3A_44 : memref<128x128xi32, #tpu.memory_space<vmem>>)
    %add3A_52 = arith.constant 2304 : i32
    %add3A_53 = arith.addi %mul3A_2, %add3A_52 : i32
    %run_scoped3A_54 = arith.constant 0 : i32
    "tpu.region"() ({
      %run_scoped3A_84 = tpu.sem_alloc : memref<!tpu.dma_semaphore, #tpu.memory_space<semaphore_mem>>
      %dma_start3A_85 = arith.constant 0 : i32
      %dma_start3A_86 = arith.constant 0 : i32
      %dma_start3A_87 = tpu.memref_slice %arg13[%run_scoped3A_54, %dma_start3A_85, %dma_start3A_86] : memref<2x128x128xi32, #tpu.memory_space<vmem>> -> memref<1x128x128xi32, #tpu.memory_space<vmem>>
      %dma_start3A_88 = tpu.memref_squeeze %dma_start3A_87 : memref<1x128x128xi32, #tpu.memory_space<vmem>> -> memref<128x128xi32, #tpu.memory_space<vmem>>
      %dma_start3A_89 = arith.constant 0 : i32
      %dma_start3A_90 = tpu.memref_slice %arg7[%add3A_53, %dma_start3A_89] : memref<80896x128xi32, #tpu.memory_space<hbm>> -> memref<128x128xi32, #tpu.memory_space<hbm>>
      %dma_start3A_91 = arith.constant 0 : i32
      %dma_start3A_92 = tpu.memref_slice %arg7[%add3A_53, %dma_start3A_91] : memref<80896x128xi32, #tpu.memory_space<hbm>> -> memref<128x128xi32, #tpu.memory_space<hbm>>
      %dma_start3A_93 = arith.constant 0 : i32
      %dma_start3A_94 = arith.constant 0 : i32
      %dma_start3A_95 = tpu.memref_slice %arg13[%run_scoped3A_54, %dma_start3A_93, %dma_start3A_94] : memref<2x128x128xi32, #tpu.memory_space<vmem>> -> memref<1x128x128xi32, #tpu.memory_space<vmem>>
      %dma_start3A_96 = tpu.memref_squeeze %dma_start3A_95 : memref<1x128x128xi32, #tpu.memory_space<vmem>> -> memref<128x128xi32, #tpu.memory_space<vmem>>
      tpu.enqueue_dma source(%dma_start3A_96 : memref<128x128xi32, #tpu.memory_space<vmem>>) target(%dma_start3A_92 : memref<128x128xi32, #tpu.memory_space<hbm>>) target_semaphore(%run_scoped3A_84 : memref<!tpu.dma_semaphore, #tpu.memory_space<semaphore_mem>>)
      %dma_wait3A_97 = arith.constant 0 : i32
      %dma_wait3A_98 = arith.constant 0 : i32
      %dma_wait3A_99 = tpu.memref_slice %arg13[%run_scoped3A_54, %dma_wait3A_97, %dma_wait3A_98] : memref<2x128x128xi32, #tpu.memory_space<vmem>> -> memref<1x128x128xi32, #tpu.memory_space<vmem>>
      %dma_wait3A_100 = tpu.memref_squeeze %dma_wait3A_99 : memref<1x128x128xi32, #tpu.memory_space<vmem>> -> memref<128x128xi32, #tpu.memory_space<vmem>>
      %dma_wait3A_101 = arith.constant 0 : i32
      %dma_wait3A_102 = tpu.memref_slice %arg7[%add3A_53, %dma_wait3A_101] : memref<80896x128xi32, #tpu.memory_space<hbm>> -> memref<128x128xi32, #tpu.memory_space<hbm>>
      %dma_wait3A_103 = arith.constant 0 : i32
      %dma_wait3A_104 = tpu.memref_slice %arg7[%add3A_53, %dma_wait3A_103] : memref<80896x128xi32, #tpu.memory_space<hbm>> -> memref<128x128xi32, #tpu.memory_space<hbm>>
      %dma_wait3A_105 = arith.constant 0 : i32
      %dma_wait3A_106 = arith.constant 0 : i32
      %dma_wait3A_107 = tpu.memref_slice %arg13[%run_scoped3A_54, %dma_wait3A_105, %dma_wait3A_106] : memref<2x128x128xi32, #tpu.memory_space<vmem>> -> memref<1x128x128xi32, #tpu.memory_space<vmem>>
      %dma_wait3A_108 = tpu.memref_squeeze %dma_wait3A_107 : memref<1x128x128xi32, #tpu.memory_space<vmem>> -> memref<128x128xi32, #tpu.memory_space<vmem>>
      tpu.wait_dma2 semaphore(%run_scoped3A_84 : memref<!tpu.dma_semaphore, #tpu.memory_space<semaphore_mem>>) src(%dma_wait3A_108 : memref<128x128xi32, #tpu.memory_space<vmem>>) dst(%dma_wait3A_104 : memref<128x128xi32, #tpu.memory_space<hbm>>)
      tpu.yield
    }) : () -> ()
    %dma_start3A_55 = arith.constant 0 : i32
    %dma_start3A_56 = arith.constant 0 : i32
    %dma_start3A_57 = arith.constant 0 : i32
    %dma_start3A_58 = arith.constant 0 : i32
    %dma_start3A_59 = tpu.memref_slice %arg13[%dma_start3A_55, %dma_start3A_57, %dma_start3A_58] : memref<2x128x128xi32, #tpu.memory_space<vmem>> -> memref<1x96x128xi32, #tpu.memory_space<vmem>>
    %dma_start3A_60 = tpu.memref_squeeze %dma_start3A_59 : memref<1x96x128xi32, #tpu.memory_space<vmem>> -> memref<96x128xi32, #tpu.memory_space<vmem>>
    %dma_start3A_61 = arith.constant 2432 : i32
    %dma_start3A_62 = tpu.memref_slice %arg11[%dma_start3A_61] : memref<2528xi32, #tpu.memory_space<vmem>> -> memref<96xi32, #tpu.memory_space<vmem>>
    %dma_start3A_63 = arith.constant 0 : i32
    %dma_start3A_64 = arith.constant 0 : i32
    %dma_start3A_65 = tpu.memref_slice %arg5[%dma_start3A_63, %dma_start3A_64] : memref<10000x128xi32, #tpu.memory_space<hbm>> -> memref<10000x128xi32, #tpu.memory_space<hbm>>
    %dma_start3A_66 = tpu.memref_slice %arg14[%dma_start3A_56] : memref<2x!tpu.dma_semaphore, #tpu.memory_space<semaphore_mem>> -> memref<1x!tpu.dma_semaphore, #tpu.memory_space<semaphore_mem>>
    %dma_start3A_67 = tpu.memref_squeeze %dma_start3A_66 : memref<1x!tpu.dma_semaphore, #tpu.memory_space<semaphore_mem>> -> memref<!tpu.dma_semaphore, #tpu.memory_space<semaphore_mem>>
    tpu.enqueue_indirect_dma source(%dma_start3A_65 : memref<10000x128xi32, #tpu.memory_space<hbm>>) target(%dma_start3A_60 : memref<96x128xi32, #tpu.memory_space<vmem>>) offsets(%dma_start3A_62 : memref<96xi32, #tpu.memory_space<vmem>>) semaphore(%dma_start3A_67 : memref<!tpu.dma_semaphore, #tpu.memory_space<semaphore_mem>>)
    %dma_wait3A_68 = arith.constant 0 : i32
    %dma_wait3A_69 = arith.constant 0 : i32
    %dma_wait3A_70 = arith.constant 0 : i32
    %dma_wait3A_71 = arith.constant 0 : i32
    %dma_wait3A_72 = tpu.memref_slice %arg13[%dma_wait3A_68, %dma_wait3A_70, %dma_wait3A_71] : memref<2x128x128xi32, #tpu.memory_space<vmem>> -> memref<1x96x128xi32, #tpu.memory_space<vmem>>
    %dma_wait3A_73 = tpu.memref_squeeze %dma_wait3A_72 : memref<1x96x128xi32, #tpu.memory_space<vmem>> -> memref<96x128xi32, #tpu.memory_space<vmem>>
    %dma_wait3A_74 = arith.constant 2432 : i32
    %dma_wait3A_75 = tpu.memref_slice %arg11[%dma_wait3A_74] : memref<2528xi32, #tpu.memory_space<vmem>> -> memref<96xi32, #tpu.memory_space<vmem>>
    %dma_wait3A_76 = arith.constant 0 : i32
    %dma_wait3A_77 = arith.constant 0 : i32
    %dma_wait3A_78 = tpu.memref_slice %arg5[%dma_wait3A_76, %dma_wait3A_77] : memref<10000x128xi32, #tpu.memory_space<hbm>> -> memref<10000x128xi32, #tpu.memory_space<hbm>>
    %dma_wait3A_79 = tpu.memref_slice %arg14[%dma_wait3A_69] : memref<2x!tpu.dma_semaphore, #tpu.memory_space<semaphore_mem>> -> memref<1x!tpu.dma_semaphore, #tpu.memory_space<semaphore_mem>>
    %dma_wait3A_80 = tpu.memref_squeeze %dma_wait3A_79 : memref<1x!tpu.dma_semaphore, #tpu.memory_space<semaphore_mem>> -> memref<!tpu.dma_semaphore, #tpu.memory_space<semaphore_mem>>
    tpu.wait_indirect_dma semaphore(%dma_wait3A_80 : memref<!tpu.dma_semaphore, #tpu.memory_space<semaphore_mem>>) src(%dma_wait3A_78 : memref<10000x128xi32, #tpu.memory_space<hbm>>) dst(%dma_wait3A_73 : memref<96x128xi32, #tpu.memory_space<vmem>>)
    %add3A_81 = arith.constant 2432 : i32
    %add3A_82 = arith.addi %mul3A_2, %add3A_81 : i32
    %run_scoped3A_83 = arith.constant 0 : i32
    "tpu.region"() ({
      %run_scoped3A_84 = tpu.sem_alloc : memref<!tpu.dma_semaphore, #tpu.memory_space<semaphore_mem>>
      %dma_start3A_85 = arith.constant 0 : i32
      %dma_start3A_86 = arith.constant 0 : i32
      %dma_start3A_87 = tpu.memref_slice %arg13[%run_scoped3A_83, %dma_start3A_85, %dma_start3A_86] : memref<2x128x128xi32, #tpu.memory_space<vmem>> -> memref<1x96x128xi32, #tpu.memory_space<vmem>>
      %dma_start3A_88 = tpu.memref_squeeze %dma_start3A_87 : memref<1x96x128xi32, #tpu.memory_space<vmem>> -> memref<96x128xi32, #tpu.memory_space<vmem>>
      %dma_start3A_89 = arith.constant 0 : i32
      %dma_start3A_90 = tpu.memref_slice %arg7[%add3A_82, %dma_start3A_89] : memref<80896x128xi32, #tpu.memory_space<hbm>> -> memref<96x128xi32, #tpu.memory_space<hbm>>
      %dma_start3A_91 = arith.constant 0 : i32
      %dma_start3A_92 = tpu.memref_slice %arg7[%add3A_82, %dma_start3A_91] : memref<80896x128xi32, #tpu.memory_space<hbm>> -> memref<96x128xi32, #tpu.memory_space<hbm>>
      %dma_start3A_93 = arith.constant 0 : i32
      %dma_start3A_94 = arith.constant 0 : i32
      %dma_start3A_95 = tpu.memref_slice %arg13[%run_scoped3A_83, %dma_start3A_93, %dma_start3A_94] : memref<2x128x128xi32, #tpu.memory_space<vmem>> -> memref<1x96x128xi32, #tpu.memory_space<vmem>>
      %dma_start3A_96 = tpu.memref_squeeze %dma_start3A_95 : memref<1x96x128xi32, #tpu.memory_space<vmem>> -> memref<96x128xi32, #tpu.memory_space<vmem>>
      tpu.enqueue_dma source(%dma_start3A_96 : memref<96x128xi32, #tpu.memory_space<vmem>>) target(%dma_start3A_92 : memref<96x128xi32, #tpu.memory_space<hbm>>) target_semaphore(%run_scoped3A_84 : memref<!tpu.dma_semaphore, #tpu.memory_space<semaphore_mem>>)
      %dma_wait3A_97 = arith.constant 0 : i32
      %dma_wait3A_98 = arith.constant 0 : i32
      %dma_wait3A_99 = tpu.memref_slice %arg13[%run_scoped3A_83, %dma_wait3A_97, %dma_wait3A_98] : memref<2x128x128xi32, #tpu.memory_space<vmem>> -> memref<1x96x128xi32, #tpu.memory_space<vmem>>
      %dma_wait3A_100 = tpu.memref_squeeze %dma_wait3A_99 : memref<1x96x128xi32, #tpu.memory_space<vmem>> -> memref<96x128xi32, #tpu.memory_space<vmem>>
      %dma_wait3A_101 = arith.constant 0 : i32
      %dma_wait3A_102 = tpu.memref_slice %arg7[%add3A_82, %dma_wait3A_101] : memref<80896x128xi32, #tpu.memory_space<hbm>> -> memref<96x128xi32, #tpu.memory_space<hbm>>
      %dma_wait3A_103 = arith.constant 0 : i32
      %dma_wait3A_104 = tpu.memref_slice %arg7[%add3A_82, %dma_wait3A_103] : memref<80896x128xi32, #tpu.memory_space<hbm>> -> memref<96x128xi32, #tpu.memory_space<hbm>>
      %dma_wait3A_105 = arith.constant 0 : i32
      %dma_wait3A_106 = arith.constant 0 : i32
      %dma_wait3A_107 = tpu.memref_slice %arg13[%run_scoped3A_83, %dma_wait3A_105, %dma_wait3A_106] : memref<2x128x128xi32, #tpu.memory_space<vmem>> -> memref<1x96x128xi32, #tpu.memory_space<vmem>>
      %dma_wait3A_108 = tpu.memref_squeeze %dma_wait3A_107 : memref<1x96x128xi32, #tpu.memory_space<vmem>> -> memref<96x128xi32, #tpu.memory_space<vmem>>
      tpu.wait_dma2 semaphore(%run_scoped3A_84 : memref<!tpu.dma_semaphore, #tpu.memory_space<semaphore_mem>>) src(%dma_wait3A_108 : memref<96x128xi32, #tpu.memory_space<vmem>>) dst(%dma_wait3A_104 : memref<96x128xi32, #tpu.memory_space<hbm>>)
      tpu.yield
    }) : () -> ()
    return
  }
}

#map = affine_map<(d0, d1) -> (0, 0)>
#map1 = affine_map<(d0, d1) -> (0)>
module attributes {stable_mosaic.version = 14 : i64} {
  func.func @sc_edges(%arg0: i32, %arg1: i32, %arg2: memref<2x10000xf32, #tpu.memory_space<hbm>>, %arg3: memref<79872xi32, #tpu.memory_space<hbm>>, %arg4: memref<79872xi32, #tpu.memory_space<hbm>>, %arg5: memref<10000x128xi32, #tpu.memory_space<hbm>>, %arg6: memref<79872xf32, #tpu.memory_space<hbm>>, %arg7: memref<79872x128xi32, #tpu.memory_space<hbm>>, %arg8: memref<10000xf32, #tpu.memory_space<vmem>>, %arg9: memref<10000xf32, #tpu.memory_space<vmem>>, %arg10: memref<2496xi32, #tpu.memory_space<vmem>>, %arg11: memref<2496xi32, #tpu.memory_space<vmem>>, %arg12: memref<2496xf32, #tpu.memory_space<vmem>>, %arg13: memref<2x128x128xi32, #tpu.memory_space<vmem>>, %arg14: memref<2x!tpu.dma_semaphore, #tpu.memory_space<semaphore_mem>>) attributes {dimension_semantics = [#tpu.dimension_semantics<core_parallel>, #tpu.dimension_semantics<subcore_parallel>], iteration_bounds = array<i64: 2, 16>, scalar_prefetch = 0 : i64, scratch_operands = 7 : i64, tpu.core_type = #tpu.core_type<sc_vector_subcore>, window_params = [{transform_indices = #map}, {transform_indices = #map1}, {transform_indices = #map1}, {transform_indices = #map}, {transform_indices = #map1}, {transform_indices = #map}]} {
    %mul3A = arith.constant 2 : i32
    %mul3A_0 = arith.muli %arg1, %mul3A : i32
    %add3A = arith.addi %mul3A_0, %arg0 : i32
    %mul3A_1 = arith.constant 2496 : i32
    %mul3A_2 = arith.muli %add3A, %mul3A_1 : i32
    %run_scoped3A = arith.constant 0 : i32
    "tpu.region"() ({
      %run_scoped3A_84 = tpu.sem_alloc : memref<!tpu.dma_semaphore, #tpu.memory_space<semaphore_mem>>
      %dma_start3A_85 = arith.constant 0 : i32
      %dma_start3A_86 = tpu.memref_slice %arg2[%run_scoped3A, %dma_start3A_85] : memref<2x10000xf32, #tpu.memory_space<hbm>> -> memref<1x10000xf32, #tpu.memory_space<hbm>>
      %dma_start3A_87 = tpu.memref_squeeze %dma_start3A_86 : memref<1x10000xf32, #tpu.memory_space<hbm>> -> memref<10000xf32, #tpu.memory_space<hbm>>
      %dma_start3A_88 = arith.constant 0 : i32
      %dma_start3A_89 = tpu.memref_slice %arg2[%run_scoped3A, %dma_start3A_88] : memref<2x10000xf32, #tpu.memory_space<hbm>> -> memref<1x10000xf32, #tpu.memory_space<hbm>>
      %dma_start3A_90 = tpu.memref_squeeze %dma_start3A_89 : memref<1x10000xf32, #tpu.memory_space<hbm>> -> memref<10000xf32, #tpu.memory_space<hbm>>
      tpu.enqueue_dma source(%dma_start3A_90 : memref<10000xf32, #tpu.memory_space<hbm>>) target(%arg8 : memref<10000xf32, #tpu.memory_space<vmem>>) target_semaphore(%run_scoped3A_84 : memref<!tpu.dma_semaphore, #tpu.memory_space<semaphore_mem>>)
      %dma_wait3A_91 = arith.constant 0 : i32
      %dma_wait3A_92 = tpu.memref_slice %arg2[%run_scoped3A, %dma_wait3A_91] : memref<2x10000xf32, #tpu.memory_space<hbm>> -> memref<1x10000xf32, #tpu.memory_space<hbm>>
      %dma_wait3A_93 = tpu.memref_squeeze %dma_wait3A_92 : memref<1x10000xf32, #tpu.memory_space<hbm>> -> memref<10000xf32, #tpu.memory_space<hbm>>
      %dma_wait3A_94 = arith.constant 0 : i32
      %dma_wait3A_95 = tpu.memref_slice %arg2[%run_scoped3A, %dma_wait3A_94] : memref<2x10000xf32, #tpu.memory_space<hbm>> -> memref<1x10000xf32, #tpu.memory_space<hbm>>
      %dma_wait3A_96 = tpu.memref_squeeze %dma_wait3A_95 : memref<1x10000xf32, #tpu.memory_space<hbm>> -> memref<10000xf32, #tpu.memory_space<hbm>>
      tpu.wait_dma2 semaphore(%run_scoped3A_84 : memref<!tpu.dma_semaphore, #tpu.memory_space<semaphore_mem>>) src(%dma_wait3A_96 : memref<10000xf32, #tpu.memory_space<hbm>>) dst(%arg8 : memref<10000xf32, #tpu.memory_space<vmem>>)
      tpu.yield
    }) : () -> ()
    %run_scoped3A_3 = arith.constant 1 : i32
    "tpu.region"() ({
      %run_scoped3A_84 = tpu.sem_alloc : memref<!tpu.dma_semaphore, #tpu.memory_space<semaphore_mem>>
      %dma_start3A_85 = arith.constant 0 : i32
      %dma_start3A_86 = tpu.memref_slice %arg2[%run_scoped3A_3, %dma_start3A_85] : memref<2x10000xf32, #tpu.memory_space<hbm>> -> memref<1x10000xf32, #tpu.memory_space<hbm>>
      %dma_start3A_87 = tpu.memref_squeeze %dma_start3A_86 : memref<1x10000xf32, #tpu.memory_space<hbm>> -> memref<10000xf32, #tpu.memory_space<hbm>>
      %dma_start3A_88 = arith.constant 0 : i32
      %dma_start3A_89 = tpu.memref_slice %arg2[%run_scoped3A_3, %dma_start3A_88] : memref<2x10000xf32, #tpu.memory_space<hbm>> -> memref<1x10000xf32, #tpu.memory_space<hbm>>
      %dma_start3A_90 = tpu.memref_squeeze %dma_start3A_89 : memref<1x10000xf32, #tpu.memory_space<hbm>> -> memref<10000xf32, #tpu.memory_space<hbm>>
      tpu.enqueue_dma source(%dma_start3A_90 : memref<10000xf32, #tpu.memory_space<hbm>>) target(%arg9 : memref<10000xf32, #tpu.memory_space<vmem>>) target_semaphore(%run_scoped3A_84 : memref<!tpu.dma_semaphore, #tpu.memory_space<semaphore_mem>>)
      %dma_wait3A_91 = arith.constant 0 : i32
      %dma_wait3A_92 = tpu.memref_slice %arg2[%run_scoped3A_3, %dma_wait3A_91] : memref<2x10000xf32, #tpu.memory_space<hbm>> -> memref<1x10000xf32, #tpu.memory_space<hbm>>
      %dma_wait3A_93 = tpu.memref_squeeze %dma_wait3A_92 : memref<1x10000xf32, #tpu.memory_space<hbm>> -> memref<10000xf32, #tpu.memory_space<hbm>>
      %dma_wait3A_94 = arith.constant 0 : i32
      %dma_wait3A_95 = tpu.memref_slice %arg2[%run_scoped3A_3, %dma_wait3A_94] : memref<2x10000xf32, #tpu.memory_space<hbm>> -> memref<1x10000xf32, #tpu.memory_space<hbm>>
      %dma_wait3A_96 = tpu.memref_squeeze %dma_wait3A_95 : memref<1x10000xf32, #tpu.memory_space<hbm>> -> memref<10000xf32, #tpu.memory_space<hbm>>
      tpu.wait_dma2 semaphore(%run_scoped3A_84 : memref<!tpu.dma_semaphore, #tpu.memory_space<semaphore_mem>>) src(%dma_wait3A_96 : memref<10000xf32, #tpu.memory_space<hbm>>) dst(%arg9 : memref<10000xf32, #tpu.memory_space<vmem>>)
      tpu.yield
    }) : () -> ()
    "tpu.region"() ({
      %run_scoped3A_84 = tpu.sem_alloc : memref<!tpu.dma_semaphore, #tpu.memory_space<semaphore_mem>>
      %dma_start3A_85 = tpu.memref_slice %arg3[%mul3A_2] : memref<79872xi32, #tpu.memory_space<hbm>> -> memref<2496xi32, #tpu.memory_space<hbm>>
      %dma_start3A_86 = tpu.memref_slice %arg3[%mul3A_2] : memref<79872xi32, #tpu.memory_space<hbm>> -> memref<2496xi32, #tpu.memory_space<hbm>>
      tpu.enqueue_dma source(%dma_start3A_86 : memref<2496xi32, #tpu.memory_space<hbm>>) target(%arg10 : memref<2496xi32, #tpu.memory_space<vmem>>) target_semaphore(%run_scoped3A_84 : memref<!tpu.dma_semaphore, #tpu.memory_space<semaphore_mem>>)
      %dma_wait3A_87 = tpu.memref_slice %arg3[%mul3A_2] : memref<79872xi32, #tpu.memory_space<hbm>> -> memref<2496xi32, #tpu.memory_space<hbm>>
      %dma_wait3A_88 = tpu.memref_slice %arg3[%mul3A_2] : memref<79872xi32, #tpu.memory_space<hbm>> -> memref<2496xi32, #tpu.memory_space<hbm>>
      tpu.wait_dma2 semaphore(%run_scoped3A_84 : memref<!tpu.dma_semaphore, #tpu.memory_space<semaphore_mem>>) src(%dma_wait3A_88 : memref<2496xi32, #tpu.memory_space<hbm>>) dst(%arg10 : memref<2496xi32, #tpu.memory_space<vmem>>)
      tpu.yield
    }) : () -> ()
    "tpu.region"() ({
      %run_scoped3A_84 = tpu.sem_alloc : memref<!tpu.dma_semaphore, #tpu.memory_space<semaphore_mem>>
      %dma_start3A_85 = tpu.memref_slice %arg4[%mul3A_2] : memref<79872xi32, #tpu.memory_space<hbm>> -> memref<2496xi32, #tpu.memory_space<hbm>>
      %dma_start3A_86 = tpu.memref_slice %arg4[%mul3A_2] : memref<79872xi32, #tpu.memory_space<hbm>> -> memref<2496xi32, #tpu.memory_space<hbm>>
      tpu.enqueue_dma source(%dma_start3A_86 : memref<2496xi32, #tpu.memory_space<hbm>>) target(%arg11 : memref<2496xi32, #tpu.memory_space<vmem>>) target_semaphore(%run_scoped3A_84 : memref<!tpu.dma_semaphore, #tpu.memory_space<semaphore_mem>>)
      %dma_wait3A_87 = tpu.memref_slice %arg4[%mul3A_2] : memref<79872xi32, #tpu.memory_space<hbm>> -> memref<2496xi32, #tpu.memory_space<hbm>>
      %dma_wait3A_88 = tpu.memref_slice %arg4[%mul3A_2] : memref<79872xi32, #tpu.memory_space<hbm>> -> memref<2496xi32, #tpu.memory_space<hbm>>
      tpu.wait_dma2 semaphore(%run_scoped3A_84 : memref<!tpu.dma_semaphore, #tpu.memory_space<semaphore_mem>>) src(%dma_wait3A_88 : memref<2496xi32, #tpu.memory_space<hbm>>) dst(%arg11 : memref<2496xi32, #tpu.memory_space<vmem>>)
      tpu.yield
    }) : () -> ()
    %scan3A = arith.constant 0 : i32
    %scan3A_4 = arith.constant 0 : i32
    %scan3A_5 = arith.constant 156 : i32
    %scan3A_6 = arith.addi %scan3A_4, %scan3A_5 : i32
    %scan3A_7 = arith.constant 1 : i32
    scf.for %scan3A_84 = %scan3A_4 to %scan3A_6 step %scan3A_7  : i32 {
      %mul3A_85 = arith.constant 16 : i32
      %mul3A_86 = arith.muli %scan3A_84, %mul3A_85 : i32
      %get3A = arith.index_cast %mul3A_86 : i32 to index
      %get3A_87 = tpu.vector_load %arg10[%get3A] {strides = array<i32>} : memref<2496xi32, #tpu.memory_space<vmem>>, vector<16xi32>,
      %get3A_88 = arith.index_cast %mul3A_86 : i32 to index
      %get3A_89 = tpu.vector_load %arg11[%get3A_88] {strides = array<i32>} : memref<2496xi32, #tpu.memory_space<vmem>>, vector<16xi32>,
      %gather3A = tpu.vector_load_idx %arg8[%get3A_87] : memref<10000xf32, #tpu.memory_space<vmem>>[vector<16xi32>], vector<16xf32>,
      %gather3A_90 = tpu.vector_load_idx %arg9[%get3A_89] : memref<10000xf32, #tpu.memory_space<vmem>>[vector<16xi32>], vector<16xf32>,
      %add3A_91 = arith.addf %gather3A, %gather3A_90 : vector<16xf32>
      %mul3A_92 = arith.constant 2.000000e-01 : f32
      %mul3A_93 = vector.broadcast %mul3A_92 : f32 to vector<16xf32>
      %mul3A_94 = arith.mulf %mul3A_93, %add3A_91 : vector<16xf32>
      %max3A = arith.maximumf %add3A_91, %mul3A_94 : vector<16xf32>
      %jit3A = arith.constant -2.000000e+00 : f32
      %jit3A_95 = arith.constant 2.000000e+00 : f32
      %max3A_96 = vector.broadcast %jit3A : f32 to vector<16xf32>
      %max3A_97 = arith.maximumf %max3A_96, %max3A : vector<16xf32>
      %min3A = vector.broadcast %jit3A_95 : f32 to vector<16xf32>
      %min3A_98 = arith.minimumf %min3A, %max3A_97 : vector<16xf32>
      %exp3A = math.exp %min3A_98 : vector<16xf32>
      %add3A_99 = arith.addi %mul3A_2, %mul3A_86 : i32
      %iota3A = tpu.iota {dimensions = array<i32: 0>} : vector<16xi32>
      %add3A_100 = vector.broadcast %add3A_99 : i32 to vector<16xi32>
      %add3A_101 = arith.addi %add3A_100, %iota3A : vector<16xi32>
      %lt3A = arith.constant 79872 : i32
      %lt3A_102 = vector.broadcast %lt3A : i32 to vector<16xi32>
      %lt3A_103 = arith.cmpi slt, %add3A_101, %lt3A_102 : vector<16xi32>
      %jit3A_104 = arith.constant 0.000000e+00 : f32
      %broadcast_in_dim3A = vector.broadcast %jit3A_104 : f32 to vector<16xf32>
      %select_n3A = arith.select %lt3A_103, %exp3A, %broadcast_in_dim3A : vector<16xi1>, vector<16xf32>
      %swap3A = arith.index_cast %mul3A_86 : i32 to index
      %swap3A_105 = tpu.vector_load %arg12[%swap3A] {strides = array<i32>} : memref<2496xf32, #tpu.memory_space<vmem>>, vector<16xf32>,
      tpu.vector_store %arg12[%swap3A], %select_n3A {strides = array<i32>} : memref<2496xf32, #tpu.memory_space<vmem>>, vector<16xf32>,
    }
    %scan3A_8 = arith.constant 156 : i32
    "tpu.region"() ({
      %run_scoped3A_84 = tpu.sem_alloc : memref<!tpu.dma_semaphore, #tpu.memory_space<semaphore_mem>>
      %dma_start3A_85 = tpu.memref_slice %arg6[%mul3A_2] : memref<79872xf32, #tpu.memory_space<hbm>> -> memref<2496xf32, #tpu.memory_space<hbm>>
      %dma_start3A_86 = tpu.memref_slice %arg6[%mul3A_2] : memref<79872xf32, #tpu.memory_space<hbm>> -> memref<2496xf32, #tpu.memory_space<hbm>>
      tpu.enqueue_dma source(%arg12 : memref<2496xf32, #tpu.memory_space<vmem>>) target(%dma_start3A_86 : memref<2496xf32, #tpu.memory_space<hbm>>) target_semaphore(%run_scoped3A_84 : memref<!tpu.dma_semaphore, #tpu.memory_space<semaphore_mem>>)
      %dma_wait3A_87 = tpu.memref_slice %arg6[%mul3A_2] : memref<79872xf32, #tpu.memory_space<hbm>> -> memref<2496xf32, #tpu.memory_space<hbm>>
      %dma_wait3A_88 = tpu.memref_slice %arg6[%mul3A_2] : memref<79872xf32, #tpu.memory_space<hbm>> -> memref<2496xf32, #tpu.memory_space<hbm>>
      tpu.wait_dma2 semaphore(%run_scoped3A_84 : memref<!tpu.dma_semaphore, #tpu.memory_space<semaphore_mem>>) src(%arg12 : memref<2496xf32, #tpu.memory_space<vmem>>) dst(%dma_wait3A_88 : memref<2496xf32, #tpu.memory_space<hbm>>)
      tpu.yield
    }) : () -> ()
    %dma_start3A = arith.constant 0 : i32
    %dma_start3A_9 = arith.constant 0 : i32
    %dma_start3A_10 = arith.constant 0 : i32
    %dma_start3A_11 = arith.constant 0 : i32
    %dma_start3A_12 = tpu.memref_slice %arg13[%dma_start3A, %dma_start3A_10, %dma_start3A_11] : memref<2x128x128xi32, #tpu.memory_space<vmem>> -> memref<1x128x128xi32, #tpu.memory_space<vmem>>
    %dma_start3A_13 = tpu.memref_squeeze %dma_start3A_12 : memref<1x128x128xi32, #tpu.memory_space<vmem>> -> memref<128x128xi32, #tpu.memory_space<vmem>>
    %dma_start3A_14 = arith.constant 0 : i32
    %dma_start3A_15 = tpu.memref_slice %arg11[%dma_start3A_14] : memref<2496xi32, #tpu.memory_space<vmem>> -> memref<128xi32, #tpu.memory_space<vmem>>
    %dma_start3A_16 = arith.constant 0 : i32
    %dma_start3A_17 = arith.constant 0 : i32
    %dma_start3A_18 = tpu.memref_slice %arg5[%dma_start3A_16, %dma_start3A_17] : memref<10000x128xi32, #tpu.memory_space<hbm>> -> memref<10000x128xi32, #tpu.memory_space<hbm>>
    %dma_start3A_19 = tpu.memref_slice %arg14[%dma_start3A_9] : memref<2x!tpu.dma_semaphore, #tpu.memory_space<semaphore_mem>> -> memref<1x!tpu.dma_semaphore, #tpu.memory_space<semaphore_mem>>
    %dma_start3A_20 = tpu.memref_squeeze %dma_start3A_19 : memref<1x!tpu.dma_semaphore, #tpu.memory_space<semaphore_mem>> -> memref<!tpu.dma_semaphore, #tpu.memory_space<semaphore_mem>>
    tpu.enqueue_indirect_dma source(%dma_start3A_18 : memref<10000x128xi32, #tpu.memory_space<hbm>>) target(%dma_start3A_13 : memref<128x128xi32, #tpu.memory_space<vmem>>) offsets(%dma_start3A_15 : memref<128xi32, #tpu.memory_space<vmem>>) semaphore(%dma_start3A_20 : memref<!tpu.dma_semaphore, #tpu.memory_space<semaphore_mem>>)
    %dma_start3A_21 = arith.constant 1 : i32
    %dma_start3A_22 = arith.constant 1 : i32
    %dma_start3A_23 = arith.constant 0 : i32
    %dma_start3A_24 = arith.constant 0 : i32
    %dma_start3A_25 = tpu.memref_slice %arg13[%dma_start3A_21, %dma_start3A_23, %dma_start3A_24] : memref<2x128x128xi32, #tpu.memory_space<vmem>> -> memref<1x128x128xi32, #tpu.memory_space<vmem>>
    %dma_start3A_26 = tpu.memref_squeeze %dma_start3A_25 : memref<1x128x128xi32, #tpu.memory_space<vmem>> -> memref<128x128xi32, #tpu.memory_space<vmem>>
    %dma_start3A_27 = arith.constant 128 : i32
    %dma_start3A_28 = tpu.memref_slice %arg11[%dma_start3A_27] : memref<2496xi32, #tpu.memory_space<vmem>> -> memref<128xi32, #tpu.memory_space<vmem>>
    %dma_start3A_29 = arith.constant 0 : i32
    %dma_start3A_30 = arith.constant 0 : i32
    %dma_start3A_31 = tpu.memref_slice %arg5[%dma_start3A_29, %dma_start3A_30] : memref<10000x128xi32, #tpu.memory_space<hbm>> -> memref<10000x128xi32, #tpu.memory_space<hbm>>
    %dma_start3A_32 = tpu.memref_slice %arg14[%dma_start3A_22] : memref<2x!tpu.dma_semaphore, #tpu.memory_space<semaphore_mem>> -> memref<1x!tpu.dma_semaphore, #tpu.memory_space<semaphore_mem>>
    %dma_start3A_33 = tpu.memref_squeeze %dma_start3A_32 : memref<1x!tpu.dma_semaphore, #tpu.memory_space<semaphore_mem>> -> memref<!tpu.dma_semaphore, #tpu.memory_space<semaphore_mem>>
    tpu.enqueue_indirect_dma source(%dma_start3A_31 : memref<10000x128xi32, #tpu.memory_space<hbm>>) target(%dma_start3A_26 : memref<128x128xi32, #tpu.memory_space<vmem>>) offsets(%dma_start3A_28 : memref<128xi32, #tpu.memory_space<vmem>>) semaphore(%dma_start3A_33 : memref<!tpu.dma_semaphore, #tpu.memory_space<semaphore_mem>>)
    %scan3A_34 = arith.constant 0 : i32
    %scan3A_35 = arith.constant 0 : i32
    %scan3A_36 = arith.constant 9 : i32
    %scan3A_37 = arith.addi %scan3A_35, %scan3A_36 : i32
    %scan3A_38 = arith.constant 1 : i32
    scf.for %scan3A_84 = %scan3A_35 to %scan3A_37 step %scan3A_38  : i32 {
      %mul3A_85 = arith.constant 2 : i32
      %mul3A_86 = arith.muli %scan3A_84, %mul3A_85 : i32
      %add3A_87 = arith.constant 0 : i32
      %add3A_88 = arith.addi %mul3A_86, %add3A_87 : i32
      %mul3A_89 = arith.constant 128 : i32
      %mul3A_90 = arith.muli %add3A_88, %mul3A_89 : i32
      %dma_wait3A_91 = arith.constant 0 : i32
      %dma_wait3A_92 = arith.constant 0 : i32
      %dma_wait3A_93 = arith.constant 0 : i32
      %dma_wait3A_94 = arith.constant 0 : i32
      %dma_wait3A_95 = tpu.memref_slice %arg13[%dma_wait3A_91, %dma_wait3A_93, %dma_wait3A_94] : memref<2x128x128xi32, #tpu.memory_space<vmem>> -> memref<1x128x128xi32, #tpu.memory_space<vmem>>
      %dma_wait3A_96 = tpu.memref_squeeze %dma_wait3A_95 : memref<1x128x128xi32, #tpu.memory_space<vmem>> -> memref<128x128xi32, #tpu.memory_space<vmem>>
      %dma_wait3A_97 = tpu.memref_slice %arg11[%mul3A_90] : memref<2496xi32, #tpu.memory_space<vmem>> -> memref<128xi32, #tpu.memory_space<vmem>>
      %dma_wait3A_98 = arith.constant 0 : i32
      %dma_wait3A_99 = arith.constant 0 : i32
      %dma_wait3A_100 = tpu.memref_slice %arg5[%dma_wait3A_98, %dma_wait3A_99] : memref<10000x128xi32, #tpu.memory_space<hbm>> -> memref<10000x128xi32, #tpu.memory_space<hbm>>
      %dma_wait3A_101 = tpu.memref_slice %arg14[%dma_wait3A_92] : memref<2x!tpu.dma_semaphore, #tpu.memory_space<semaphore_mem>> -> memref<1x!tpu.dma_semaphore, #tpu.memory_space<semaphore_mem>>
      %dma_wait3A_102 = tpu.memref_squeeze %dma_wait3A_101 : memref<1x!tpu.dma_semaphore, #tpu.memory_space<semaphore_mem>> -> memref<!tpu.dma_semaphore, #tpu.memory_space<semaphore_mem>>
      tpu.wait_indirect_dma semaphore(%dma_wait3A_102 : memref<!tpu.dma_semaphore, #tpu.memory_space<semaphore_mem>>) src(%dma_wait3A_100 : memref<10000x128xi32, #tpu.memory_space<hbm>>) dst(%dma_wait3A_96 : memref<128x128xi32, #tpu.memory_space<vmem>>)
      %mul3A_103 = arith.constant 128 : i32
      %mul3A_104 = arith.muli %add3A_88, %mul3A_103 : i32
      %add3A_105 = arith.addi %mul3A_2, %mul3A_104 : i32
      %run_scoped3A_106 = arith.constant 0 : i32
      "tpu.region"() ({
        %run_scoped3A_138 = tpu.sem_alloc : memref<!tpu.dma_semaphore, #tpu.memory_space<semaphore_mem>>
        %dma_start3A_139 = arith.constant 0 : i32
        %dma_start3A_140 = arith.constant 0 : i32
        %dma_start3A_141 = tpu.memref_slice %arg13[%run_scoped3A_106, %dma_start3A_139, %dma_start3A_140] : memref<2x128x128xi32, #tpu.memory_space<vmem>> -> memref<1x128x128xi32, #tpu.memory_space<vmem>>
        %dma_start3A_142 = tpu.memref_squeeze %dma_start3A_141 : memref<1x128x128xi32, #tpu.memory_space<vmem>> -> memref<128x128xi32, #tpu.memory_space<vmem>>
        %dma_start3A_143 = arith.constant 0 : i32
        %dma_start3A_144 = tpu.memref_slice %arg7[%add3A_105, %dma_start3A_143] : memref<79872x128xi32, #tpu.memory_space<hbm>> -> memref<128x128xi32, #tpu.memory_space<hbm>>
        %dma_start3A_145 = arith.constant 0 : i32
        %dma_start3A_146 = tpu.memref_slice %arg7[%add3A_105, %dma_start3A_145] : memref<79872x128xi32, #tpu.memory_space<hbm>> -> memref<128x128xi32, #tpu.memory_space<hbm>>
        %dma_start3A_147 = arith.constant 0 : i32
        %dma_start3A_148 = arith.constant 0 : i32
        %dma_start3A_149 = tpu.memref_slice %arg13[%run_scoped3A_106, %dma_start3A_147, %dma_start3A_148] : memref<2x128x128xi32, #tpu.memory_space<vmem>> -> memref<1x128x128xi32, #tpu.memory_space<vmem>>
        %dma_start3A_150 = tpu.memref_squeeze %dma_start3A_149 : memref<1x128x128xi32, #tpu.memory_space<vmem>> -> memref<128x128xi32, #tpu.memory_space<vmem>>
        tpu.enqueue_dma source(%dma_start3A_150 : memref<128x128xi32, #tpu.memory_space<vmem>>) target(%dma_start3A_146 : memref<128x128xi32, #tpu.memory_space<hbm>>) target_semaphore(%run_scoped3A_138 : memref<!tpu.dma_semaphore, #tpu.memory_space<semaphore_mem>>)
        %dma_wait3A_151 = arith.constant 0 : i32
        %dma_wait3A_152 = arith.constant 0 : i32
        %dma_wait3A_153 = tpu.memref_slice %arg13[%run_scoped3A_106, %dma_wait3A_151, %dma_wait3A_152] : memref<2x128x128xi32, #tpu.memory_space<vmem>> -> memref<1x128x128xi32, #tpu.memory_space<vmem>>
        %dma_wait3A_154 = tpu.memref_squeeze %dma_wait3A_153 : memref<1x128x128xi32, #tpu.memory_space<vmem>> -> memref<128x128xi32, #tpu.memory_space<vmem>>
        %dma_wait3A_155 = arith.constant 0 : i32
        %dma_wait3A_156 = tpu.memref_slice %arg7[%add3A_105, %dma_wait3A_155] : memref<79872x128xi32, #tpu.memory_space<hbm>> -> memref<128x128xi32, #tpu.memory_space<hbm>>
        %dma_wait3A_157 = arith.constant 0 : i32
        %dma_wait3A_158 = tpu.memref_slice %arg7[%add3A_105, %dma_wait3A_157] : memref<79872x128xi32, #tpu.memory_space<hbm>> -> memref<128x128xi32, #tpu.memory_space<hbm>>
        %dma_wait3A_159 = arith.constant 0 : i32
        %dma_wait3A_160 = arith.constant 0 : i32
        %dma_wait3A_161 = tpu.memref_slice %arg13[%run_scoped3A_106, %dma_wait3A_159, %dma_wait3A_160] : memref<2x128x128xi32, #tpu.memory_space<vmem>> -> memref<1x128x128xi32, #tpu.memory_space<vmem>>
        %dma_wait3A_162 = tpu.memref_squeeze %dma_wait3A_161 : memref<1x128x128xi32, #tpu.memory_space<vmem>> -> memref<128x128xi32, #tpu.memory_space<vmem>>
        tpu.wait_dma2 semaphore(%run_scoped3A_138 : memref<!tpu.dma_semaphore, #tpu.memory_space<semaphore_mem>>) src(%dma_wait3A_162 : memref<128x128xi32, #tpu.memory_space<vmem>>) dst(%dma_wait3A_158 : memref<128x128xi32, #tpu.memory_space<hbm>>)
        tpu.yield
      }) : () -> ()
      %add3A_107 = arith.constant 2 : i32
      %add3A_108 = arith.addi %add3A_88, %add3A_107 : i32
      %lt3A = arith.constant 19 : i32
      %lt3A_109 = arith.cmpi slt, %add3A_108, %lt3A : i32
      %convert_element_type3A = arith.extui %lt3A_109 : i1 to i32
      %cond3A = arith.constant 0 : i32
      %cond3A_110 = arith.cmpi ne, %convert_element_type3A, %cond3A : i32
      scf.if %cond3A_110 {
        %mul3A_138 = arith.constant 128 : i32
        %mul3A_139 = arith.muli %add3A_108, %mul3A_138 : i32
        %dma_start3A_140 = arith.constant 0 : i32
        %dma_start3A_141 = arith.constant 0 : i32
        %dma_start3A_142 = arith.constant 0 : i32
        %dma_start3A_143 = arith.constant 0 : i32
        %dma_start3A_144 = tpu.memref_slice %arg13[%dma_start3A_140, %dma_start3A_142, %dma_start3A_143] : memref<2x128x128xi32, #tpu.memory_space<vmem>> -> memref<1x128x128xi32, #tpu.memory_space<vmem>>
        %dma_start3A_145 = tpu.memref_squeeze %dma_start3A_144 : memref<1x128x128xi32, #tpu.memory_space<vmem>> -> memref<128x128xi32, #tpu.memory_space<vmem>>
        %dma_start3A_146 = tpu.memref_slice %arg11[%mul3A_139] : memref<2496xi32, #tpu.memory_space<vmem>> -> memref<128xi32, #tpu.memory_space<vmem>>
        %dma_start3A_147 = arith.constant 0 : i32
        %dma_start3A_148 = arith.constant 0 : i32
        %dma_start3A_149 = tpu.memref_slice %arg5[%dma_start3A_147, %dma_start3A_148] : memref<10000x128xi32, #tpu.memory_space<hbm>> -> memref<10000x128xi32, #tpu.memory_space<hbm>>
        %dma_start3A_150 = tpu.memref_slice %arg14[%dma_start3A_141] : memref<2x!tpu.dma_semaphore, #tpu.memory_space<semaphore_mem>> -> memref<1x!tpu.dma_semaphore, #tpu.memory_space<semaphore_mem>>
        %dma_start3A_151 = tpu.memref_squeeze %dma_start3A_150 : memref<1x!tpu.dma_semaphore, #tpu.memory_space<semaphore_mem>> -> memref<!tpu.dma_semaphore, #tpu.memory_space<semaphore_mem>>
        tpu.enqueue_indirect_dma source(%dma_start3A_149 : memref<10000x128xi32, #tpu.memory_space<hbm>>) target(%dma_start3A_145 : memref<128x128xi32, #tpu.memory_space<vmem>>) offsets(%dma_start3A_146 : memref<128xi32, #tpu.memory_space<vmem>>) semaphore(%dma_start3A_151 : memref<!tpu.dma_semaphore, #tpu.memory_space<semaphore_mem>>)
      } else {
      }
      %add3A_111 = arith.constant 1 : i32
      %add3A_112 = arith.addi %mul3A_86, %add3A_111 : i32
      %mul3A_113 = arith.constant 128 : i32
      %mul3A_114 = arith.muli %add3A_112, %mul3A_113 : i32
      %dma_wait3A_115 = arith.constant 1 : i32
      %dma_wait3A_116 = arith.constant 1 : i32
      %dma_wait3A_117 = arith.constant 0 : i32
      %dma_wait3A_118 = arith.constant 0 : i32
      %dma_wait3A_119 = tpu.memref_slice %arg13[%dma_wait3A_115, %dma_wait3A_117, %dma_wait3A_118] : memref<2x128x128xi32, #tpu.memory_space<vmem>> -> memref<1x128x128xi32, #tpu.memory_space<vmem>>
      %dma_wait3A_120 = tpu.memref_squeeze %dma_wait3A_119 : memref<1x128x128xi32, #tpu.memory_space<vmem>> -> memref<128x128xi32, #tpu.memory_space<vmem>>
      %dma_wait3A_121 = tpu.memref_slice %arg11[%mul3A_114] : memref<2496xi32, #tpu.memory_space<vmem>> -> memref<128xi32, #tpu.memory_space<vmem>>
      %dma_wait3A_122 = arith.constant 0 : i32
      %dma_wait3A_123 = arith.constant 0 : i32
      %dma_wait3A_124 = tpu.memref_slice %arg5[%dma_wait3A_122, %dma_wait3A_123] : memref<10000x128xi32, #tpu.memory_space<hbm>> -> memref<10000x128xi32, #tpu.memory_space<hbm>>
      %dma_wait3A_125 = tpu.memref_slice %arg14[%dma_wait3A_116] : memref<2x!tpu.dma_semaphore, #tpu.memory_space<semaphore_mem>> -> memref<1x!tpu.dma_semaphore, #tpu.memory_space<semaphore_mem>>
      %dma_wait3A_126 = tpu.memref_squeeze %dma_wait3A_125 : memref<1x!tpu.dma_semaphore, #tpu.memory_space<semaphore_mem>> -> memref<!tpu.dma_semaphore, #tpu.memory_space<semaphore_mem>>
      tpu.wait_indirect_dma semaphore(%dma_wait3A_126 : memref<!tpu.dma_semaphore, #tpu.memory_space<semaphore_mem>>) src(%dma_wait3A_124 : memref<10000x128xi32, #tpu.memory_space<hbm>>) dst(%dma_wait3A_120 : memref<128x128xi32, #tpu.memory_space<vmem>>)
      %mul3A_127 = arith.constant 128 : i32
      %mul3A_128 = arith.muli %add3A_112, %mul3A_127 : i32
      %add3A_129 = arith.addi %mul3A_2, %mul3A_128 : i32
      %run_scoped3A_130 = arith.constant 1 : i32
      "tpu.region"() ({
        %run_scoped3A_138 = tpu.sem_alloc : memref<!tpu.dma_semaphore, #tpu.memory_space<semaphore_mem>>
        %dma_start3A_139 = arith.constant 0 : i32
        %dma_start3A_140 = arith.constant 0 : i32
        %dma_start3A_141 = tpu.memref_slice %arg13[%run_scoped3A_130, %dma_start3A_139, %dma_start3A_140] : memref<2x128x128xi32, #tpu.memory_space<vmem>> -> memref<1x128x128xi32, #tpu.memory_space<vmem>>
        %dma_start3A_142 = tpu.memref_squeeze %dma_start3A_141 : memref<1x128x128xi32, #tpu.memory_space<vmem>> -> memref<128x128xi32, #tpu.memory_space<vmem>>
        %dma_start3A_143 = arith.constant 0 : i32
        %dma_start3A_144 = tpu.memref_slice %arg7[%add3A_129, %dma_start3A_143] : memref<79872x128xi32, #tpu.memory_space<hbm>> -> memref<128x128xi32, #tpu.memory_space<hbm>>
        %dma_start3A_145 = arith.constant 0 : i32
        %dma_start3A_146 = tpu.memref_slice %arg7[%add3A_129, %dma_start3A_145] : memref<79872x128xi32, #tpu.memory_space<hbm>> -> memref<128x128xi32, #tpu.memory_space<hbm>>
        %dma_start3A_147 = arith.constant 0 : i32
        %dma_start3A_148 = arith.constant 0 : i32
        %dma_start3A_149 = tpu.memref_slice %arg13[%run_scoped3A_130, %dma_start3A_147, %dma_start3A_148] : memref<2x128x128xi32, #tpu.memory_space<vmem>> -> memref<1x128x128xi32, #tpu.memory_space<vmem>>
        %dma_start3A_150 = tpu.memref_squeeze %dma_start3A_149 : memref<1x128x128xi32, #tpu.memory_space<vmem>> -> memref<128x128xi32, #tpu.memory_space<vmem>>
        tpu.enqueue_dma source(%dma_start3A_150 : memref<128x128xi32, #tpu.memory_space<vmem>>) target(%dma_start3A_146 : memref<128x128xi32, #tpu.memory_space<hbm>>) target_semaphore(%run_scoped3A_138 : memref<!tpu.dma_semaphore, #tpu.memory_space<semaphore_mem>>)
        %dma_wait3A_151 = arith.constant 0 : i32
        %dma_wait3A_152 = arith.constant 0 : i32
        %dma_wait3A_153 = tpu.memref_slice %arg13[%run_scoped3A_130, %dma_wait3A_151, %dma_wait3A_152] : memref<2x128x128xi32, #tpu.memory_space<vmem>> -> memref<1x128x128xi32, #tpu.memory_space<vmem>>
        %dma_wait3A_154 = tpu.memref_squeeze %dma_wait3A_153 : memref<1x128x128xi32, #tpu.memory_space<vmem>> -> memref<128x128xi32, #tpu.memory_space<vmem>>
        %dma_wait3A_155 = arith.constant 0 : i32
        %dma_wait3A_156 = tpu.memref_slice %arg7[%add3A_129, %dma_wait3A_155] : memref<79872x128xi32, #tpu.memory_space<hbm>> -> memref<128x128xi32, #tpu.memory_space<hbm>>
        %dma_wait3A_157 = arith.constant 0 : i32
        %dma_wait3A_158 = tpu.memref_slice %arg7[%add3A_129, %dma_wait3A_157] : memref<79872x128xi32, #tpu.memory_space<hbm>> -> memref<128x128xi32, #tpu.memory_space<hbm>>
        %dma_wait3A_159 = arith.constant 0 : i32
        %dma_wait3A_160 = arith.constant 0 : i32
        %dma_wait3A_161 = tpu.memref_slice %arg13[%run_scoped3A_130, %dma_wait3A_159, %dma_wait3A_160] : memref<2x128x128xi32, #tpu.memory_space<vmem>> -> memref<1x128x128xi32, #tpu.memory_space<vmem>>
        %dma_wait3A_162 = tpu.memref_squeeze %dma_wait3A_161 : memref<1x128x128xi32, #tpu.memory_space<vmem>> -> memref<128x128xi32, #tpu.memory_space<vmem>>
        tpu.wait_dma2 semaphore(%run_scoped3A_138 : memref<!tpu.dma_semaphore, #tpu.memory_space<semaphore_mem>>) src(%dma_wait3A_162 : memref<128x128xi32, #tpu.memory_space<vmem>>) dst(%dma_wait3A_158 : memref<128x128xi32, #tpu.memory_space<hbm>>)
        tpu.yield
      }) : () -> ()
      %add3A_131 = arith.constant 2 : i32
      %add3A_132 = arith.addi %add3A_112, %add3A_131 : i32
      %lt3A_133 = arith.constant 19 : i32
      %lt3A_134 = arith.cmpi slt, %add3A_132, %lt3A_133 : i32
      %convert_element_type3A_135 = arith.extui %lt3A_134 : i1 to i32
      %cond3A_136 = arith.constant 0 : i32
      %cond3A_137 = arith.cmpi ne, %convert_element_type3A_135, %cond3A_136 : i32
      scf.if %cond3A_137 {
        %mul3A_138 = arith.constant 128 : i32
        %mul3A_139 = arith.muli %add3A_132, %mul3A_138 : i32
        %dma_start3A_140 = arith.constant 1 : i32
        %dma_start3A_141 = arith.constant 1 : i32
        %dma_start3A_142 = arith.constant 0 : i32
        %dma_start3A_143 = arith.constant 0 : i32
        %dma_start3A_144 = tpu.memref_slice %arg13[%dma_start3A_140, %dma_start3A_142, %dma_start3A_143] : memref<2x128x128xi32, #tpu.memory_space<vmem>> -> memref<1x128x128xi32, #tpu.memory_space<vmem>>
        %dma_start3A_145 = tpu.memref_squeeze %dma_start3A_144 : memref<1x128x128xi32, #tpu.memory_space<vmem>> -> memref<128x128xi32, #tpu.memory_space<vmem>>
        %dma_start3A_146 = tpu.memref_slice %arg11[%mul3A_139] : memref<2496xi32, #tpu.memory_space<vmem>> -> memref<128xi32, #tpu.memory_space<vmem>>
        %dma_start3A_147 = arith.constant 0 : i32
        %dma_start3A_148 = arith.constant 0 : i32
        %dma_start3A_149 = tpu.memref_slice %arg5[%dma_start3A_147, %dma_start3A_148] : memref<10000x128xi32, #tpu.memory_space<hbm>> -> memref<10000x128xi32, #tpu.memory_space<hbm>>
        %dma_start3A_150 = tpu.memref_slice %arg14[%dma_start3A_141] : memref<2x!tpu.dma_semaphore, #tpu.memory_space<semaphore_mem>> -> memref<1x!tpu.dma_semaphore, #tpu.memory_space<semaphore_mem>>
        %dma_start3A_151 = tpu.memref_squeeze %dma_start3A_150 : memref<1x!tpu.dma_semaphore, #tpu.memory_space<semaphore_mem>> -> memref<!tpu.dma_semaphore, #tpu.memory_space<semaphore_mem>>
        tpu.enqueue_indirect_dma source(%dma_start3A_149 : memref<10000x128xi32, #tpu.memory_space<hbm>>) target(%dma_start3A_145 : memref<128x128xi32, #tpu.memory_space<vmem>>) offsets(%dma_start3A_146 : memref<128xi32, #tpu.memory_space<vmem>>) semaphore(%dma_start3A_151 : memref<!tpu.dma_semaphore, #tpu.memory_space<semaphore_mem>>)
      } else {
      }
    }
    %scan3A_39 = arith.constant 9 : i32
    %dma_wait3A = arith.constant 0 : i32
    %dma_wait3A_40 = arith.constant 0 : i32
    %dma_wait3A_41 = arith.constant 0 : i32
    %dma_wait3A_42 = arith.constant 0 : i32
    %dma_wait3A_43 = tpu.memref_slice %arg13[%dma_wait3A, %dma_wait3A_41, %dma_wait3A_42] : memref<2x128x128xi32, #tpu.memory_space<vmem>> -> memref<1x128x128xi32, #tpu.memory_space<vmem>>
    %dma_wait3A_44 = tpu.memref_squeeze %dma_wait3A_43 : memref<1x128x128xi32, #tpu.memory_space<vmem>> -> memref<128x128xi32, #tpu.memory_space<vmem>>
    %dma_wait3A_45 = arith.constant 2304 : i32
    %dma_wait3A_46 = tpu.memref_slice %arg11[%dma_wait3A_45] : memref<2496xi32, #tpu.memory_space<vmem>> -> memref<128xi32, #tpu.memory_space<vmem>>
    %dma_wait3A_47 = arith.constant 0 : i32
    %dma_wait3A_48 = arith.constant 0 : i32
    %dma_wait3A_49 = tpu.memref_slice %arg5[%dma_wait3A_47, %dma_wait3A_48] : memref<10000x128xi32, #tpu.memory_space<hbm>> -> memref<10000x128xi32, #tpu.memory_space<hbm>>
    %dma_wait3A_50 = tpu.memref_slice %arg14[%dma_wait3A_40] : memref<2x!tpu.dma_semaphore, #tpu.memory_space<semaphore_mem>> -> memref<1x!tpu.dma_semaphore, #tpu.memory_space<semaphore_mem>>
    %dma_wait3A_51 = tpu.memref_squeeze %dma_wait3A_50 : memref<1x!tpu.dma_semaphore, #tpu.memory_space<semaphore_mem>> -> memref<!tpu.dma_semaphore, #tpu.memory_space<semaphore_mem>>
    tpu.wait_indirect_dma semaphore(%dma_wait3A_51 : memref<!tpu.dma_semaphore, #tpu.memory_space<semaphore_mem>>) src(%dma_wait3A_49 : memref<10000x128xi32, #tpu.memory_space<hbm>>) dst(%dma_wait3A_44 : memref<128x128xi32, #tpu.memory_space<vmem>>)
    %add3A_52 = arith.constant 2304 : i32
    %add3A_53 = arith.addi %mul3A_2, %add3A_52 : i32
    %run_scoped3A_54 = arith.constant 0 : i32
    "tpu.region"() ({
      %run_scoped3A_84 = tpu.sem_alloc : memref<!tpu.dma_semaphore, #tpu.memory_space<semaphore_mem>>
      %dma_start3A_85 = arith.constant 0 : i32
      %dma_start3A_86 = arith.constant 0 : i32
      %dma_start3A_87 = tpu.memref_slice %arg13[%run_scoped3A_54, %dma_start3A_85, %dma_start3A_86] : memref<2x128x128xi32, #tpu.memory_space<vmem>> -> memref<1x128x128xi32, #tpu.memory_space<vmem>>
      %dma_start3A_88 = tpu.memref_squeeze %dma_start3A_87 : memref<1x128x128xi32, #tpu.memory_space<vmem>> -> memref<128x128xi32, #tpu.memory_space<vmem>>
      %dma_start3A_89 = arith.constant 0 : i32
      %dma_start3A_90 = tpu.memref_slice %arg7[%add3A_53, %dma_start3A_89] : memref<79872x128xi32, #tpu.memory_space<hbm>> -> memref<128x128xi32, #tpu.memory_space<hbm>>
      %dma_start3A_91 = arith.constant 0 : i32
      %dma_start3A_92 = tpu.memref_slice %arg7[%add3A_53, %dma_start3A_91] : memref<79872x128xi32, #tpu.memory_space<hbm>> -> memref<128x128xi32, #tpu.memory_space<hbm>>
      %dma_start3A_93 = arith.constant 0 : i32
      %dma_start3A_94 = arith.constant 0 : i32
      %dma_start3A_95 = tpu.memref_slice %arg13[%run_scoped3A_54, %dma_start3A_93, %dma_start3A_94] : memref<2x128x128xi32, #tpu.memory_space<vmem>> -> memref<1x128x128xi32, #tpu.memory_space<vmem>>
      %dma_start3A_96 = tpu.memref_squeeze %dma_start3A_95 : memref<1x128x128xi32, #tpu.memory_space<vmem>> -> memref<128x128xi32, #tpu.memory_space<vmem>>
      tpu.enqueue_dma source(%dma_start3A_96 : memref<128x128xi32, #tpu.memory_space<vmem>>) target(%dma_start3A_92 : memref<128x128xi32, #tpu.memory_space<hbm>>) target_semaphore(%run_scoped3A_84 : memref<!tpu.dma_semaphore, #tpu.memory_space<semaphore_mem>>)
      %dma_wait3A_97 = arith.constant 0 : i32
      %dma_wait3A_98 = arith.constant 0 : i32
      %dma_wait3A_99 = tpu.memref_slice %arg13[%run_scoped3A_54, %dma_wait3A_97, %dma_wait3A_98] : memref<2x128x128xi32, #tpu.memory_space<vmem>> -> memref<1x128x128xi32, #tpu.memory_space<vmem>>
      %dma_wait3A_100 = tpu.memref_squeeze %dma_wait3A_99 : memref<1x128x128xi32, #tpu.memory_space<vmem>> -> memref<128x128xi32, #tpu.memory_space<vmem>>
      %dma_wait3A_101 = arith.constant 0 : i32
      %dma_wait3A_102 = tpu.memref_slice %arg7[%add3A_53, %dma_wait3A_101] : memref<79872x128xi32, #tpu.memory_space<hbm>> -> memref<128x128xi32, #tpu.memory_space<hbm>>
      %dma_wait3A_103 = arith.constant 0 : i32
      %dma_wait3A_104 = tpu.memref_slice %arg7[%add3A_53, %dma_wait3A_103] : memref<79872x128xi32, #tpu.memory_space<hbm>> -> memref<128x128xi32, #tpu.memory_space<hbm>>
      %dma_wait3A_105 = arith.constant 0 : i32
      %dma_wait3A_106 = arith.constant 0 : i32
      %dma_wait3A_107 = tpu.memref_slice %arg13[%run_scoped3A_54, %dma_wait3A_105, %dma_wait3A_106] : memref<2x128x128xi32, #tpu.memory_space<vmem>> -> memref<1x128x128xi32, #tpu.memory_space<vmem>>
      %dma_wait3A_108 = tpu.memref_squeeze %dma_wait3A_107 : memref<1x128x128xi32, #tpu.memory_space<vmem>> -> memref<128x128xi32, #tpu.memory_space<vmem>>
      tpu.wait_dma2 semaphore(%run_scoped3A_84 : memref<!tpu.dma_semaphore, #tpu.memory_space<semaphore_mem>>) src(%dma_wait3A_108 : memref<128x128xi32, #tpu.memory_space<vmem>>) dst(%dma_wait3A_104 : memref<128x128xi32, #tpu.memory_space<hbm>>)
      tpu.yield
    }) : () -> ()
    %dma_start3A_55 = arith.constant 0 : i32
    %dma_start3A_56 = arith.constant 0 : i32
    %dma_start3A_57 = arith.constant 0 : i32
    %dma_start3A_58 = arith.constant 0 : i32
    %dma_start3A_59 = tpu.memref_slice %arg13[%dma_start3A_55, %dma_start3A_57, %dma_start3A_58] : memref<2x128x128xi32, #tpu.memory_space<vmem>> -> memref<1x64x128xi32, #tpu.memory_space<vmem>>
    %dma_start3A_60 = tpu.memref_squeeze %dma_start3A_59 : memref<1x64x128xi32, #tpu.memory_space<vmem>> -> memref<64x128xi32, #tpu.memory_space<vmem>>
    %dma_start3A_61 = arith.constant 2432 : i32
    %dma_start3A_62 = tpu.memref_slice %arg11[%dma_start3A_61] : memref<2496xi32, #tpu.memory_space<vmem>> -> memref<64xi32, #tpu.memory_space<vmem>>
    %dma_start3A_63 = arith.constant 0 : i32
    %dma_start3A_64 = arith.constant 0 : i32
    %dma_start3A_65 = tpu.memref_slice %arg5[%dma_start3A_63, %dma_start3A_64] : memref<10000x128xi32, #tpu.memory_space<hbm>> -> memref<10000x128xi32, #tpu.memory_space<hbm>>
    %dma_start3A_66 = tpu.memref_slice %arg14[%dma_start3A_56] : memref<2x!tpu.dma_semaphore, #tpu.memory_space<semaphore_mem>> -> memref<1x!tpu.dma_semaphore, #tpu.memory_space<semaphore_mem>>
    %dma_start3A_67 = tpu.memref_squeeze %dma_start3A_66 : memref<1x!tpu.dma_semaphore, #tpu.memory_space<semaphore_mem>> -> memref<!tpu.dma_semaphore, #tpu.memory_space<semaphore_mem>>
    tpu.enqueue_indirect_dma source(%dma_start3A_65 : memref<10000x128xi32, #tpu.memory_space<hbm>>) target(%dma_start3A_60 : memref<64x128xi32, #tpu.memory_space<vmem>>) offsets(%dma_start3A_62 : memref<64xi32, #tpu.memory_space<vmem>>) semaphore(%dma_start3A_67 : memref<!tpu.dma_semaphore, #tpu.memory_space<semaphore_mem>>)
    %dma_wait3A_68 = arith.constant 0 : i32
    %dma_wait3A_69 = arith.constant 0 : i32
    %dma_wait3A_70 = arith.constant 0 : i32
    %dma_wait3A_71 = arith.constant 0 : i32
    %dma_wait3A_72 = tpu.memref_slice %arg13[%dma_wait3A_68, %dma_wait3A_70, %dma_wait3A_71] : memref<2x128x128xi32, #tpu.memory_space<vmem>> -> memref<1x64x128xi32, #tpu.memory_space<vmem>>
    %dma_wait3A_73 = tpu.memref_squeeze %dma_wait3A_72 : memref<1x64x128xi32, #tpu.memory_space<vmem>> -> memref<64x128xi32, #tpu.memory_space<vmem>>
    %dma_wait3A_74 = arith.constant 2432 : i32
    %dma_wait3A_75 = tpu.memref_slice %arg11[%dma_wait3A_74] : memref<2496xi32, #tpu.memory_space<vmem>> -> memref<64xi32, #tpu.memory_space<vmem>>
    %dma_wait3A_76 = arith.constant 0 : i32
    %dma_wait3A_77 = arith.constant 0 : i32
    %dma_wait3A_78 = tpu.memref_slice %arg5[%dma_wait3A_76, %dma_wait3A_77] : memref<10000x128xi32, #tpu.memory_space<hbm>> -> memref<10000x128xi32, #tpu.memory_space<hbm>>
    %dma_wait3A_79 = tpu.memref_slice %arg14[%dma_wait3A_69] : memref<2x!tpu.dma_semaphore, #tpu.memory_space<semaphore_mem>> -> memref<1x!tpu.dma_semaphore, #tpu.memory_space<semaphore_mem>>
    %dma_wait3A_80 = tpu.memref_squeeze %dma_wait3A_79 : memref<1x!tpu.dma_semaphore, #tpu.memory_space<semaphore_mem>> -> memref<!tpu.dma_semaphore, #tpu.memory_space<semaphore_mem>>
    tpu.wait_indirect_dma semaphore(%dma_wait3A_80 : memref<!tpu.dma_semaphore, #tpu.memory_space<semaphore_mem>>) src(%dma_wait3A_78 : memref<10000x128xi32, #tpu.memory_space<hbm>>) dst(%dma_wait3A_73 : memref<64x128xi32, #tpu.memory_space<vmem>>)
    %add3A_81 = arith.constant 2432 : i32
    %add3A_82 = arith.addi %mul3A_2, %add3A_81 : i32
    %run_scoped3A_83 = arith.constant 0 : i32
    "tpu.region"() ({
      %run_scoped3A_84 = tpu.sem_alloc : memref<!tpu.dma_semaphore, #tpu.memory_space<semaphore_mem>>
      %dma_start3A_85 = arith.constant 0 : i32
      %dma_start3A_86 = arith.constant 0 : i32
      %dma_start3A_87 = tpu.memref_slice %arg13[%run_scoped3A_83, %dma_start3A_85, %dma_start3A_86] : memref<2x128x128xi32, #tpu.memory_space<vmem>> -> memref<1x64x128xi32, #tpu.memory_space<vmem>>
      %dma_start3A_88 = tpu.memref_squeeze %dma_start3A_87 : memref<1x64x128xi32, #tpu.memory_space<vmem>> -> memref<64x128xi32, #tpu.memory_space<vmem>>
      %dma_start3A_89 = arith.constant 0 : i32
      %dma_start3A_90 = tpu.memref_slice %arg7[%add3A_82, %dma_start3A_89] : memref<79872x128xi32, #tpu.memory_space<hbm>> -> memref<64x128xi32, #tpu.memory_space<hbm>>
      %dma_start3A_91 = arith.constant 0 : i32
      %dma_start3A_92 = tpu.memref_slice %arg7[%add3A_82, %dma_start3A_91] : memref<79872x128xi32, #tpu.memory_space<hbm>> -> memref<64x128xi32, #tpu.memory_space<hbm>>
      %dma_start3A_93 = arith.constant 0 : i32
      %dma_start3A_94 = arith.constant 0 : i32
      %dma_start3A_95 = tpu.memref_slice %arg13[%run_scoped3A_83, %dma_start3A_93, %dma_start3A_94] : memref<2x128x128xi32, #tpu.memory_space<vmem>> -> memref<1x64x128xi32, #tpu.memory_space<vmem>>
      %dma_start3A_96 = tpu.memref_squeeze %dma_start3A_95 : memref<1x64x128xi32, #tpu.memory_space<vmem>> -> memref<64x128xi32, #tpu.memory_space<vmem>>
      tpu.enqueue_dma source(%dma_start3A_96 : memref<64x128xi32, #tpu.memory_space<vmem>>) target(%dma_start3A_92 : memref<64x128xi32, #tpu.memory_space<hbm>>) target_semaphore(%run_scoped3A_84 : memref<!tpu.dma_semaphore, #tpu.memory_space<semaphore_mem>>)
      %dma_wait3A_97 = arith.constant 0 : i32
      %dma_wait3A_98 = arith.constant 0 : i32
      %dma_wait3A_99 = tpu.memref_slice %arg13[%run_scoped3A_83, %dma_wait3A_97, %dma_wait3A_98] : memref<2x128x128xi32, #tpu.memory_space<vmem>> -> memref<1x64x128xi32, #tpu.memory_space<vmem>>
      %dma_wait3A_100 = tpu.memref_squeeze %dma_wait3A_99 : memref<1x64x128xi32, #tpu.memory_space<vmem>> -> memref<64x128xi32, #tpu.memory_space<vmem>>
      %dma_wait3A_101 = arith.constant 0 : i32
      %dma_wait3A_102 = tpu.memref_slice %arg7[%add3A_82, %dma_wait3A_101] : memref<79872x128xi32, #tpu.memory_space<hbm>> -> memref<64x128xi32, #tpu.memory_space<hbm>>
      %dma_wait3A_103 = arith.constant 0 : i32
      %dma_wait3A_104 = tpu.memref_slice %arg7[%add3A_82, %dma_wait3A_103] : memref<79872x128xi32, #tpu.memory_space<hbm>> -> memref<64x128xi32, #tpu.memory_space<hbm>>
      %dma_wait3A_105 = arith.constant 0 : i32
      %dma_wait3A_106 = arith.constant 0 : i32
      %dma_wait3A_107 = tpu.memref_slice %arg13[%run_scoped3A_83, %dma_wait3A_105, %dma_wait3A_106] : memref<2x128x128xi32, #tpu.memory_space<vmem>> -> memref<1x64x128xi32, #tpu.memory_space<vmem>>
      %dma_wait3A_108 = tpu.memref_squeeze %dma_wait3A_107 : memref<1x64x128xi32, #tpu.memory_space<vmem>> -> memref<64x128xi32, #tpu.memory_space<vmem>>
      tpu.wait_dma2 semaphore(%run_scoped3A_84 : memref<!tpu.dma_semaphore, #tpu.memory_space<semaphore_mem>>) src(%dma_wait3A_108 : memref<64x128xi32, #tpu.memory_space<vmem>>) dst(%dma_wait3A_104 : memref<64x128xi32, #tpu.memory_space<hbm>>)
      tpu.yield
    }) : () -> ()
    return
  }
}

module attributes {stable_mosaic.version = 14 : i64} {
  func.func @_mm_body(%arg0: i32, %arg1: memref<1000x256xf32, #tpu.memory_space<vmem>>, %arg2: memref<256x256xf32, #tpu.memory_space<vmem>>, %arg3: memref<256x2xf32, #tpu.memory_space<vmem>>, %arg4: memref<1000x128xi32, #tpu.memory_space<vmem>>, %arg5: memref<1000x2xf32, #tpu.memory_space<vmem>>) attributes {dimension_semantics = [#tpu.dimension_semantics<arbitrary>], iteration_bounds = array<i64: 10>, scalar_prefetch = 0 : i64, scratch_operands = 0 : i64, tpu.core_type = #tpu.core_type<tc>, window_params = [{transform_indices = @transform_0, window_bounds = array<i64: 1000, 256>}, {pipeline_mode = #tpu.pipeline_mode<synchronous>, transform_indices = @transform_1, window_bounds = array<i64: 256, 256>}, {pipeline_mode = #tpu.pipeline_mode<synchronous>, transform_indices = @transform_2, window_bounds = array<i64: 256, 2>}, {transform_indices = @transform_3, window_bounds = array<i64: 1000, 128>}, {transform_indices = @transform_4, window_bounds = array<i64: 1000, 2>}]} {
    %get3A = arith.constant 0 : index
    %get3A_0 = arith.constant 0 : index
    %get3A_1 = vector.load %arg1[%get3A, %get3A_0] : memref<1000x256xf32, #tpu.memory_space<vmem>>, vector<1000x256xf32>
    %get3A_2 = arith.constant 0 : index
    %get3A_3 = arith.constant 0 : index
    %get3A_4 = vector.load %arg2[%get3A_2, %get3A_3] : memref<256x256xf32, #tpu.memory_space<vmem>>, vector<256x256xf32>
    %dot_general3A = arith.constant dense<0.000000e+00> : vector<1000x256xf32>
    %dot_general3A_5 = tpu.matmul %get3A_1, %get3A_4, %dot_general3A {dimension_numbers = #tpu.dot_dimension_numbers<[1], [0], [0], [1], [0, 0, 1, 1], [], []>, transpose_lhs_hint = false} : vector<1000x256xf32>, vector<256x256xf32>, vector<1000x256xf32> -> vector<1000x256xf32>
    %get3A_6 = arith.constant 0 : index
    %get3A_7 = arith.constant 0 : index
    %get3A_8 = vector.load %arg3[%get3A_6, %get3A_7] : memref<256x2xf32, #tpu.memory_space<vmem>>, vector<256x2xf32>
    %dot_general3A_9 = arith.constant dense<0.000000e+00> : vector<1000x2xf32>
    %dot_general3A_10 = tpu.matmul %dot_general3A_5, %get3A_8, %dot_general3A_9 {dimension_numbers = #tpu.dot_dimension_numbers<[1], [0], [0], [1], [0, 0, 1, 1], [], []>, transpose_lhs_hint = false} : vector<1000x256xf32>, vector<256x2xf32>, vector<1000x2xf32> -> vector<1000x2xf32>
    %swap3A = arith.constant 0 : index
    %swap3A_11 = arith.constant 0 : index
    %swap3A_12 = vector.load %arg5[%swap3A, %swap3A_11] : memref<1000x2xf32, #tpu.memory_space<vmem>>, vector<1000x2xf32>
    tpu.vector_store %arg5[%swap3A, %swap3A_11], %dot_general3A_10 {strides = array<i32>} : memref<1000x2xf32, #tpu.memory_space<vmem>>, vector<1000x2xf32>,
    %slice3A = vector.extract_strided_slice %dot_general3A_5 {offsets = [0, 0], sizes = [1000, 128], strides = [1, 1]} : vector<1000x256xf32> to vector<1000x128xf32>
    %bitcast_convert_type3A = tpu.bitcast %slice3A : vector<1000x128xf32> -> vector<1000x128xi32>
    %add3A = arith.constant 32767 : i32
    %add3A_13 = vector.broadcast %add3A : i32 to vector<1000x128xi32>
    %add3A_14 = arith.addi %bitcast_convert_type3A, %add3A_13 : vector<1000x128xi32>
    %shift_right_arithmetic3A = arith.constant 16 : i32
    %shift_right_arithmetic3A_15 = vector.broadcast %shift_right_arithmetic3A : i32 to vector<1000x128xi32>
    %shift_right_arithmetic3A_16 = arith.shrsi %bitcast_convert_type3A, %shift_right_arithmetic3A_15 : vector<1000x128xi32>
    %and3A = arith.constant 1 : i32
    %and3A_17 = vector.broadcast %and3A : i32 to vector<1000x128xi32>
    %and3A_18 = arith.andi %shift_right_arithmetic3A_16, %and3A_17 : vector<1000x128xi32>
    %add3A_19 = arith.addi %add3A_14, %and3A_18 : vector<1000x128xi32>
    %slice3A_20 = vector.extract_strided_slice %dot_general3A_5 {offsets = [0, 128], sizes = [1000, 128], strides = [1, 1]} : vector<1000x256xf32> to vector<1000x128xf32>
    %bitcast_convert_type3A_21 = tpu.bitcast %slice3A_20 : vector<1000x128xf32> -> vector<1000x128xi32>
    %add3A_22 = arith.constant 32767 : i32
    %add3A_23 = vector.broadcast %add3A_22 : i32 to vector<1000x128xi32>
    %add3A_24 = arith.addi %bitcast_convert_type3A_21, %add3A_23 : vector<1000x128xi32>
    %shift_right_arithmetic3A_25 = arith.constant 16 : i32
    %shift_right_arithmetic3A_26 = vector.broadcast %shift_right_arithmetic3A_25 : i32 to vector<1000x128xi32>
    %shift_right_arithmetic3A_27 = arith.shrsi %bitcast_convert_type3A_21, %shift_right_arithmetic3A_26 : vector<1000x128xi32>
    %and3A_28 = arith.constant 1 : i32
    %and3A_29 = vector.broadcast %and3A_28 : i32 to vector<1000x128xi32>
    %and3A_30 = arith.andi %shift_right_arithmetic3A_27, %and3A_29 : vector<1000x128xi32>
    %add3A_31 = arith.addi %add3A_24, %and3A_30 : vector<1000x128xi32>
    %shift_right_logical3A = arith.constant 16 : i32
    %shift_right_logical3A_32 = vector.broadcast %shift_right_logical3A : i32 to vector<1000x128xi32>
    %shift_right_logical3A_33 = arith.shrui %add3A_19, %shift_right_logical3A_32 : vector<1000x128xi32>
    %and3A_34 = arith.constant -65536 : i32
    %and3A_35 = vector.broadcast %and3A_34 : i32 to vector<1000x128xi32>
    %and3A_36 = arith.andi %add3A_31, %and3A_35 : vector<1000x128xi32>
    %or3A = arith.ori %shift_right_logical3A_33, %and3A_36 : vector<1000x128xi32>
    %swap3A_37 = arith.constant 0 : index
    %swap3A_38 = arith.constant 0 : index
    %swap3A_39 = vector.load %arg4[%swap3A_37, %swap3A_38] : memref<1000x128xi32, #tpu.memory_space<vmem>>, vector<1000x128xi32>
    tpu.vector_store %arg4[%swap3A_37, %swap3A_38], %or3A {strides = array<i32>} : memref<1000x128xi32, #tpu.memory_space<vmem>>, vector<1000x128xi32>,
    return
  }
  func.func @transform_0(%arg0: i32) -> (i32, i32) {
    %c0_i32 = arith.constant 0 : i32
    %c0_i32_0 = arith.constant 0 : i32
    return %arg0, %c0_i32 : i32, i32
  }
  func.func @transform_1(%arg0: i32) -> (i32, i32) {
    %c0_i32 = arith.constant 0 : i32
    %c0_i32_0 = arith.constant 0 : i32
    %c0_i32_1 = arith.constant 0 : i32
    return %c0_i32, %c0_i32_0 : i32, i32
  }
  func.func @transform_2(%arg0: i32) -> (i32, i32) {
    %c0_i32 = arith.constant 0 : i32
    %c0_i32_0 = arith.constant 0 : i32
    %c0_i32_1 = arith.constant 0 : i32
    return %c0_i32, %c0_i32_0 : i32, i32
  }
  func.func @transform_3(%arg0: i32) -> (i32, i32) {
    %c0_i32 = arith.constant 0 : i32
    %c0_i32_0 = arith.constant 0 : i32
    return %arg0, %c0_i32 : i32, i32
  }
  func.func @transform_4(%arg0: i32) -> (i32, i32) {
    %c0_i32 = arith.constant 0 : i32
    %c0_i32_0 = arith.constant 0 : i32
    return %arg0, %c0_i32 : i32, i32
  }
}

module attributes {stable_mosaic.version = 14 : i64} {
  func.func @_agg_body(%arg0: i32, %arg1: memref<79xi32, #tpu.memory_space<smem>>, %arg2: memref<1024x128xi32, #tpu.memory_space<vmem>>, %arg3: memref<1x1x1024xf32, #tpu.memory_space<vmem>>, %arg4: memref<1x1x1024xi32, #tpu.memory_space<vmem>>, %arg5: memref<10240x256xf32, #tpu.memory_space<vmem>>, %arg6: memref<10240x1xf32, #tpu.memory_space<vmem>>) attributes {dimension_semantics = [#tpu.dimension_semantics<arbitrary>], iteration_bounds = array<i64: 89>, scalar_prefetch = 1 : i64, scratch_operands = 0 : i64, tpu.core_type = #tpu.core_type<tc>, window_params = [{transform_indices = @transform_0, window_bounds = array<i64: 1024, 128>}, {transform_indices = @transform_1, window_bounds = array<i64: 1, 1, 1024>}, {transform_indices = @transform_2, window_bounds = array<i64: 1, 1, 1024>}, {pipeline_mode = #tpu.pipeline_mode<synchronous>, transform_indices = @transform_3, window_bounds = array<i64: 10240, 256>}, {pipeline_mode = #tpu.pipeline_mode<synchronous>, transform_indices = @transform_4, window_bounds = array<i64: 10240, 1>}]} {
    %lt3A = arith.constant 10 : i32
    %lt3A_0 = arith.cmpi slt, %arg0, %lt3A : i32
    %convert_element_type3A = arith.extui %lt3A_0 : i1 to i32
    %cond3A = arith.constant 0 : i32
    %cond3A_1 = arith.cmpi ne, %convert_element_type3A, %cond3A : i32
    scf.if %cond3A_1 {
      %min3A = arith.constant 9 : i32
      %min3A_6 = arith.minsi %arg0, %min3A : i32
      %mul3A = arith.constant 1024 : i32
      %mul3A_7 = arith.muli %min3A_6, %mul3A : i32
      %multiple_of3A = tpu.assume_multiple %mul3A_7, 8 : i32
      %broadcast_in_dim3A = arith.constant 0.000000e+00 : f32
      %broadcast_in_dim3A_8 = vector.broadcast %broadcast_in_dim3A : f32 to vector<1024x256xf32>
      %swap3A = arith.index_cast %multiple_of3A : i32 to index
      %swap3A_9 = arith.constant 0 : index
      %swap3A_10 = vector.load %arg5[%swap3A, %swap3A_9] : memref<10240x256xf32, #tpu.memory_space<vmem>>, vector<1024x256xf32>
      tpu.vector_store %arg5[%swap3A, %swap3A_9], %broadcast_in_dim3A_8 {strides = array<i32>} : memref<10240x256xf32, #tpu.memory_space<vmem>>, vector<1024x256xf32>,
      %broadcast_in_dim3A_11 = arith.constant 0.000000e+00 : f32
      %broadcast_in_dim3A_12 = vector.broadcast %broadcast_in_dim3A_11 : f32 to vector<1024x1xf32>
      %swap3A_13 = arith.index_cast %multiple_of3A : i32 to index
      %swap3A_14 = arith.constant 0 : index
      %swap3A_15 = vector.load %arg6[%swap3A_13, %swap3A_14] : memref<10240x1xf32, #tpu.memory_space<vmem>>, vector<1024x1xf32>
      tpu.vector_store %arg6[%swap3A_13, %swap3A_14], %broadcast_in_dim3A_12 {strides = array<i32>} : memref<10240x1xf32, #tpu.memory_space<vmem>>, vector<1024x1xf32>,
    } else {
    }
    %ge3A = arith.constant 10 : i32
    %ge3A_2 = arith.cmpi sge, %arg0, %ge3A : i32
    %convert_element_type3A_3 = arith.extui %ge3A_2 : i1 to i32
    %cond3A_4 = arith.constant 0 : i32
    %cond3A_5 = arith.cmpi ne, %convert_element_type3A_3, %cond3A_4 : i32
    scf.if %cond3A_5 {
      %sub3A = arith.constant 10 : i32
      %sub3A_6 = arith.subi %arg0, %sub3A : i32
      %max3A = arith.constant 0 : i32
      %max3A_7 = arith.maxsi %sub3A_6, %max3A : i32
      %get3A = arith.index_cast %max3A_7 : i32 to index
      %get3A_8 = memref.load %arg1[%get3A] : memref<79xi32, #tpu.memory_space<smem>>
      %jit3A = arith.constant 8 : i32
      %div3A = arith.divsi %get3A_8, %jit3A : i32
      %sign3A = arith.constant 0 : i32
      %sign3A_9 = arith.cmpi sgt, %get3A_8, %sign3A : i32
      %sign3A_10 = arith.extui %sign3A_9 : i1 to i32
      %sign3A_11 = arith.constant 0 : i32
      %sign3A_12 = arith.cmpi slt, %get3A_8, %sign3A_11 : i32
      %sign3A_13 = arith.extui %sign3A_12 : i1 to i32
      %sign3A_14 = arith.subi %sign3A_10, %sign3A_13 : i32
      %sign3A_15 = arith.constant 0 : i32
      %sign3A_16 = arith.cmpi sgt, %jit3A, %sign3A_15 : i32
      %sign3A_17 = arith.extui %sign3A_16 : i1 to i32
      %sign3A_18 = arith.constant 0 : i32
      %sign3A_19 = arith.cmpi slt, %jit3A, %sign3A_18 : i32
      %sign3A_20 = arith.extui %sign3A_19 : i1 to i32
      %sign3A_21 = arith.subi %sign3A_17, %sign3A_20 : i32
      %ne3A = arith.cmpi ne, %sign3A_14, %sign3A_21 : i32
      %rem3A = arith.remsi %get3A_8, %jit3A : i32
      %ne3A_22 = arith.constant 0 : i32
      %ne3A_23 = arith.cmpi ne, %rem3A, %ne3A_22 : i32
      %and3A = arith.andi %ne3A, %ne3A_23 : i1
      %sub3A_24 = arith.constant 1 : i32
      %sub3A_25 = arith.subi %div3A, %sub3A_24 : i32
      %select_n3A = arith.select %and3A, %sub3A_25, %div3A : i32
      %mul3A = arith.constant 8 : i32
      %mul3A_26 = arith.muli %select_n3A, %mul3A : i32
      %multiple_of3A = tpu.assume_multiple %mul3A_26, 8 : i32
      %get3A_27 = arith.constant 0 : index
      %get3A_28 = arith.constant 0 : index
      %get3A_29 = arith.constant 0 : index
      %get3A_30 = vector.load %arg4[%get3A_27, %get3A_28, %get3A_29] : memref<1x1x1024xi32, #tpu.memory_space<vmem>>, vector<1x1x1024xi32>
      %get3A_31 = vector.shape_cast %get3A_30 : vector<1x1x1024xi32> to vector<1x1024xi32>
      %sub3A_32 = vector.broadcast %multiple_of3A : i32 to vector<1x1024xi32>
      %sub3A_33 = arith.subi %get3A_31, %sub3A_32 : vector<1x1024xi32>
      %iota3A = tpu.iota {dimensions = array<i32: 0>} : vector<128x1024xi32>
      %eq3A = vector.broadcast %sub3A_33 : vector<1x1024xi32> to vector<128x1024xi32>
      %eq3A_34 = arith.cmpi eq, %iota3A, %eq3A : vector<128x1024xi32>
      %get3A_35 = arith.constant 0 : index
      %get3A_36 = arith.constant 0 : index
      %get3A_37 = arith.constant 0 : index
      %get3A_38 = vector.load %arg3[%get3A_35, %get3A_36, %get3A_37] : memref<1x1x1024xf32, #tpu.memory_space<vmem>>, vector<1x1x1024xf32>
      %get3A_39 = vector.shape_cast %get3A_38 : vector<1x1x1024xf32> to vector<1x1024xf32>
      %jit3A_40 = arith.constant 0.000000e+00 : f32
      %broadcast_in_dim3A = vector.shape_cast %get3A_39 : vector<1x1024xf32> to vector<1x1024xf32>
      %broadcast_in_dim3A_41 = vector.broadcast %broadcast_in_dim3A : vector<1x1024xf32> to vector<128x1024xf32>
      %broadcast_in_dim3A_42 = vector.broadcast %jit3A_40 : f32 to vector<128x1024xf32>
      %select_n3A_43 = arith.select %eq3A_34, %broadcast_in_dim3A_41, %broadcast_in_dim3A_42 : vector<128x1024xi1>, vector<128x1024xf32>
      %get3A_44 = arith.constant 0 : index
      %get3A_45 = arith.constant 0 : index
      %get3A_46 = vector.load %arg2[%get3A_44, %get3A_45] : memref<1024x128xi32, #tpu.memory_space<vmem>>, vector<1024x128xi32>
      %shift_left3A = arith.constant 16 : i32
      %shift_left3A_47 = vector.broadcast %shift_left3A : i32 to vector<1024x128xi32>
      %shift_left3A_48 = arith.shli %get3A_46, %shift_left3A_47 : vector<1024x128xi32>
      %bitcast_convert_type3A = tpu.bitcast %shift_left3A_48 : vector<1024x128xi32> -> vector<1024x128xf32>
      %and3A_49 = arith.constant -65536 : i32
      %and3A_50 = vector.broadcast %and3A_49 : i32 to vector<1024x128xi32>
      %and3A_51 = arith.andi %get3A_46, %and3A_50 : vector<1024x128xi32>
      %bitcast_convert_type3A_52 = tpu.bitcast %and3A_51 : vector<1024x128xi32> -> vector<1024x128xf32>
      %dot_general3A = arith.constant dense<0.000000e+00> : vector<128x128xf32>
      %dot_general3A_53 = tpu.matmul %select_n3A_43, %bitcast_convert_type3A, %dot_general3A {dimension_numbers = #tpu.dot_dimension_numbers<[1], [0], [0], [1], [0, 0, 1, 1], [], []>, transpose_lhs_hint = false} : vector<128x1024xf32>, vector<1024x128xf32>, vector<128x128xf32> -> vector<128x128xf32>
      %dot_general3A_54 = arith.constant dense<0.000000e+00> : vector<128x128xf32>
      %dot_general3A_55 = tpu.matmul %select_n3A_43, %bitcast_convert_type3A_52, %dot_general3A_54 {dimension_numbers = #tpu.dot_dimension_numbers<[1], [0], [0], [1], [0, 0, 1, 1], [], []>, transpose_lhs_hint = false} : vector<128x1024xf32>, vector<1024x128xf32>, vector<128x128xf32> -> vector<128x128xf32>
      %broadcast_in_dim3A_56 = arith.constant 1.000000e+00 : f32
      %broadcast_in_dim3A_57 = vector.broadcast %broadcast_in_dim3A_56 : f32 to vector<1024x1xf32>
      %dot_general3A_58 = arith.constant dense<0.000000e+00> : vector<128x1xf32>
      %dot_general3A_59 = tpu.matmul %select_n3A_43, %broadcast_in_dim3A_57, %dot_general3A_58 {dimension_numbers = #tpu.dot_dimension_numbers<[1], [0], [0], [1], [0, 0, 1, 1], [], []>, transpose_lhs_hint = false} : vector<128x1024xf32>, vector<1024x1xf32>, vector<128x1xf32> -> vector<128x1xf32>
      %get3A_60 = arith.index_cast %multiple_of3A : i32 to index
      %get3A_61 = arith.constant 0 : index
      %get3A_62 = vector.load %arg5[%get3A_60, %get3A_61] : memref<10240x256xf32, #tpu.memory_space<vmem>>, vector<128x128xf32>
      %add3A = arith.addf %get3A_62, %dot_general3A_53 : vector<128x128xf32>
      %swap3A = arith.index_cast %multiple_of3A : i32 to index
      %swap3A_63 = arith.constant 0 : index
      %swap3A_64 = vector.load %arg5[%swap3A, %swap3A_63] : memref<10240x256xf32, #tpu.memory_space<vmem>>, vector<128x128xf32>
      tpu.vector_store %arg5[%swap3A, %swap3A_63], %add3A {strides = array<i32>} : memref<10240x256xf32, #tpu.memory_space<vmem>>, vector<128x128xf32>,
      %get3A_65 = arith.index_cast %multiple_of3A : i32 to index
      %get3A_66 = arith.constant 128 : index
      %get3A_67 = vector.load %arg5[%get3A_65, %get3A_66] : memref<10240x256xf32, #tpu.memory_space<vmem>>, vector<128x128xf32>
      %add3A_68 = arith.addf %get3A_67, %dot_general3A_55 : vector<128x128xf32>
      %swap3A_69 = arith.index_cast %multiple_of3A : i32 to index
      %swap3A_70 = arith.constant 128 : index
      %swap3A_71 = vector.load %arg5[%swap3A_69, %swap3A_70] : memref<10240x256xf32, #tpu.memory_space<vmem>>, vector<128x128xf32>
      tpu.vector_store %arg5[%swap3A_69, %swap3A_70], %add3A_68 {strides = array<i32>} : memref<10240x256xf32, #tpu.memory_space<vmem>>, vector<128x128xf32>,
      %get3A_72 = arith.index_cast %multiple_of3A : i32 to index
      %get3A_73 = arith.constant 0 : index
      %get3A_74 = vector.load %arg6[%get3A_72, %get3A_73] : memref<10240x1xf32, #tpu.memory_space<vmem>>, vector<128x1xf32>
      %add3A_75 = arith.addf %get3A_74, %dot_general3A_59 : vector<128x1xf32>
      %swap3A_76 = arith.index_cast %multiple_of3A : i32 to index
      %swap3A_77 = arith.constant 0 : index
      %swap3A_78 = vector.load %arg6[%swap3A_76, %swap3A_77] : memref<10240x1xf32, #tpu.memory_space<vmem>>, vector<128x1xf32>
      tpu.vector_store %arg6[%swap3A_76, %swap3A_77], %add3A_75 {strides = array<i32>} : memref<10240x1xf32, #tpu.memory_space<vmem>>, vector<128x1xf32>,
    } else {
    }
    return
  }
  func.func @transform_0(%arg0: i32, %arg1: memref<79xi32, #tpu.memory_space<smem>>) -> (i32, i32) {
    %sub3A = arith.constant 10 : i32
    %sub3A_0 = arith.subi %arg0, %sub3A : i32
    %max3A = arith.constant 0 : i32
    %max3A_1 = arith.maxsi %sub3A_0, %max3A : i32
    %c0_i32 = arith.constant 0 : i32
    %c0_i32_2 = arith.constant 0 : i32
    return %max3A_1, %c0_i32 : i32, i32
  }
  func.func @transform_1(%arg0: i32, %arg1: memref<79xi32, #tpu.memory_space<smem>>) -> (i32, i32, i32) {
    %sub3A = arith.constant 10 : i32
    %sub3A_0 = arith.subi %arg0, %sub3A : i32
    %max3A = arith.constant 0 : i32
    %max3A_1 = arith.maxsi %sub3A_0, %max3A : i32
    %c0_i32 = arith.constant 0 : i32
    %c0_i32_2 = arith.constant 0 : i32
    %c0_i32_3 = arith.constant 0 : i32
    return %max3A_1, %c0_i32, %c0_i32_2 : i32, i32, i32
  }
  func.func @transform_2(%arg0: i32, %arg1: memref<79xi32, #tpu.memory_space<smem>>) -> (i32, i32, i32) {
    %sub3A = arith.constant 10 : i32
    %sub3A_0 = arith.subi %arg0, %sub3A : i32
    %max3A = arith.constant 0 : i32
    %max3A_1 = arith.maxsi %sub3A_0, %max3A : i32
    %c0_i32 = arith.constant 0 : i32
    %c0_i32_2 = arith.constant 0 : i32
    %c0_i32_3 = arith.constant 0 : i32
    return %max3A_1, %c0_i32, %c0_i32_2 : i32, i32, i32
  }
  func.func @transform_3(%arg0: i32, %arg1: memref<79xi32, #tpu.memory_space<smem>>) -> (i32, i32) {
    %c0_i32 = arith.constant 0 : i32
    %c0_i32_0 = arith.constant 0 : i32
    %c0_i32_1 = arith.constant 0 : i32
    return %c0_i32, %c0_i32_0 : i32, i32
  }
  func.func @transform_4(%arg0: i32, %arg1: memref<79xi32, #tpu.memory_space<smem>>) -> (i32, i32) {
    %c0_i32 = arith.constant 0 : i32
    %c0_i32_0 = arith.constant 0 : i32
    %c0_i32_1 = arith.constant 0 : i32
    return %c0_i32, %c0_i32_0 : i32, i32
  }
}

module attributes {stable_mosaic.version = 14 : i64} {
  func.func @_agg_body(%arg0: i32, %arg1: memref<78xi32, #tpu.memory_space<smem>>, %arg2: memref<1024x128xi32, #tpu.memory_space<vmem>>, %arg3: memref<1x1x1024xf32, #tpu.memory_space<vmem>>, %arg4: memref<1x1x1024xi32, #tpu.memory_space<vmem>>, %arg5: memref<10240x256xf32, #tpu.memory_space<vmem>>, %arg6: memref<10240x1xf32, #tpu.memory_space<vmem>>) attributes {dimension_semantics = [#tpu.dimension_semantics<arbitrary>], iteration_bounds = array<i64: 88>, scalar_prefetch = 1 : i64, scratch_operands = 0 : i64, tpu.core_type = #tpu.core_type<tc>, window_params = [{transform_indices = @transform_0, window_bounds = array<i64: 1024, 128>}, {transform_indices = @transform_1, window_bounds = array<i64: 1, 1, 1024>}, {transform_indices = @transform_2, window_bounds = array<i64: 1, 1, 1024>}, {pipeline_mode = #tpu.pipeline_mode<synchronous>, transform_indices = @transform_3, window_bounds = array<i64: 10240, 256>}, {pipeline_mode = #tpu.pipeline_mode<synchronous>, transform_indices = @transform_4, window_bounds = array<i64: 10240, 1>}]} {
    %lt3A = arith.constant 10 : i32
    %lt3A_0 = arith.cmpi slt, %arg0, %lt3A : i32
    %convert_element_type3A = arith.extui %lt3A_0 : i1 to i32
    %cond3A = arith.constant 0 : i32
    %cond3A_1 = arith.cmpi ne, %convert_element_type3A, %cond3A : i32
    scf.if %cond3A_1 {
      %min3A = arith.constant 9 : i32
      %min3A_6 = arith.minsi %arg0, %min3A : i32
      %mul3A = arith.constant 1024 : i32
      %mul3A_7 = arith.muli %min3A_6, %mul3A : i32
      %multiple_of3A = tpu.assume_multiple %mul3A_7, 8 : i32
      %broadcast_in_dim3A = arith.constant 0.000000e+00 : f32
      %broadcast_in_dim3A_8 = vector.broadcast %broadcast_in_dim3A : f32 to vector<1024x256xf32>
      %swap3A = arith.index_cast %multiple_of3A : i32 to index
      %swap3A_9 = arith.constant 0 : index
      %swap3A_10 = vector.load %arg5[%swap3A, %swap3A_9] : memref<10240x256xf32, #tpu.memory_space<vmem>>, vector<1024x256xf32>
      tpu.vector_store %arg5[%swap3A, %swap3A_9], %broadcast_in_dim3A_8 {strides = array<i32>} : memref<10240x256xf32, #tpu.memory_space<vmem>>, vector<1024x256xf32>,
      %broadcast_in_dim3A_11 = arith.constant 0.000000e+00 : f32
      %broadcast_in_dim3A_12 = vector.broadcast %broadcast_in_dim3A_11 : f32 to vector<1024x1xf32>
      %swap3A_13 = arith.index_cast %multiple_of3A : i32 to index
      %swap3A_14 = arith.constant 0 : index
      %swap3A_15 = vector.load %arg6[%swap3A_13, %swap3A_14] : memref<10240x1xf32, #tpu.memory_space<vmem>>, vector<1024x1xf32>
      tpu.vector_store %arg6[%swap3A_13, %swap3A_14], %broadcast_in_dim3A_12 {strides = array<i32>} : memref<10240x1xf32, #tpu.memory_space<vmem>>, vector<1024x1xf32>,
    } else {
    }
    %ge3A = arith.constant 10 : i32
    %ge3A_2 = arith.cmpi sge, %arg0, %ge3A : i32
    %convert_element_type3A_3 = arith.extui %ge3A_2 : i1 to i32
    %cond3A_4 = arith.constant 0 : i32
    %cond3A_5 = arith.cmpi ne, %convert_element_type3A_3, %cond3A_4 : i32
    scf.if %cond3A_5 {
      %sub3A = arith.constant 10 : i32
      %sub3A_6 = arith.subi %arg0, %sub3A : i32
      %max3A = arith.constant 0 : i32
      %max3A_7 = arith.maxsi %sub3A_6, %max3A : i32
      %get3A = arith.index_cast %max3A_7 : i32 to index
      %get3A_8 = memref.load %arg1[%get3A] : memref<78xi32, #tpu.memory_space<smem>>
      %jit3A = arith.constant 8 : i32
      %div3A = arith.divsi %get3A_8, %jit3A : i32
      %sign3A = arith.constant 0 : i32
      %sign3A_9 = arith.cmpi sgt, %get3A_8, %sign3A : i32
      %sign3A_10 = arith.extui %sign3A_9 : i1 to i32
      %sign3A_11 = arith.constant 0 : i32
      %sign3A_12 = arith.cmpi slt, %get3A_8, %sign3A_11 : i32
      %sign3A_13 = arith.extui %sign3A_12 : i1 to i32
      %sign3A_14 = arith.subi %sign3A_10, %sign3A_13 : i32
      %sign3A_15 = arith.constant 0 : i32
      %sign3A_16 = arith.cmpi sgt, %jit3A, %sign3A_15 : i32
      %sign3A_17 = arith.extui %sign3A_16 : i1 to i32
      %sign3A_18 = arith.constant 0 : i32
      %sign3A_19 = arith.cmpi slt, %jit3A, %sign3A_18 : i32
      %sign3A_20 = arith.extui %sign3A_19 : i1 to i32
      %sign3A_21 = arith.subi %sign3A_17, %sign3A_20 : i32
      %ne3A = arith.cmpi ne, %sign3A_14, %sign3A_21 : i32
      %rem3A = arith.remsi %get3A_8, %jit3A : i32
      %ne3A_22 = arith.constant 0 : i32
      %ne3A_23 = arith.cmpi ne, %rem3A, %ne3A_22 : i32
      %and3A = arith.andi %ne3A, %ne3A_23 : i1
      %sub3A_24 = arith.constant 1 : i32
      %sub3A_25 = arith.subi %div3A, %sub3A_24 : i32
      %select_n3A = arith.select %and3A, %sub3A_25, %div3A : i32
      %mul3A = arith.constant 8 : i32
      %mul3A_26 = arith.muli %select_n3A, %mul3A : i32
      %multiple_of3A = tpu.assume_multiple %mul3A_26, 8 : i32
      %get3A_27 = arith.constant 0 : index
      %get3A_28 = arith.constant 0 : index
      %get3A_29 = arith.constant 0 : index
      %get3A_30 = vector.load %arg4[%get3A_27, %get3A_28, %get3A_29] : memref<1x1x1024xi32, #tpu.memory_space<vmem>>, vector<1x1x1024xi32>
      %get3A_31 = vector.shape_cast %get3A_30 : vector<1x1x1024xi32> to vector<1x1024xi32>
      %sub3A_32 = vector.broadcast %multiple_of3A : i32 to vector<1x1024xi32>
      %sub3A_33 = arith.subi %get3A_31, %sub3A_32 : vector<1x1024xi32>
      %iota3A = tpu.iota {dimensions = array<i32: 0>} : vector<128x1024xi32>
      %eq3A = vector.broadcast %sub3A_33 : vector<1x1024xi32> to vector<128x1024xi32>
      %eq3A_34 = arith.cmpi eq, %iota3A, %eq3A : vector<128x1024xi32>
      %get3A_35 = arith.constant 0 : index
      %get3A_36 = arith.constant 0 : index
      %get3A_37 = arith.constant 0 : index
      %get3A_38 = vector.load %arg3[%get3A_35, %get3A_36, %get3A_37] : memref<1x1x1024xf32, #tpu.memory_space<vmem>>, vector<1x1x1024xf32>
      %get3A_39 = vector.shape_cast %get3A_38 : vector<1x1x1024xf32> to vector<1x1024xf32>
      %jit3A_40 = arith.constant 0.000000e+00 : f32
      %broadcast_in_dim3A = vector.shape_cast %get3A_39 : vector<1x1024xf32> to vector<1x1024xf32>
      %broadcast_in_dim3A_41 = vector.broadcast %broadcast_in_dim3A : vector<1x1024xf32> to vector<128x1024xf32>
      %broadcast_in_dim3A_42 = vector.broadcast %jit3A_40 : f32 to vector<128x1024xf32>
      %select_n3A_43 = arith.select %eq3A_34, %broadcast_in_dim3A_41, %broadcast_in_dim3A_42 : vector<128x1024xi1>, vector<128x1024xf32>
      %get3A_44 = arith.constant 0 : index
      %get3A_45 = arith.constant 0 : index
      %get3A_46 = vector.load %arg2[%get3A_44, %get3A_45] : memref<1024x128xi32, #tpu.memory_space<vmem>>, vector<1024x128xi32>
      %shift_left3A = arith.constant 16 : i32
      %shift_left3A_47 = vector.broadcast %shift_left3A : i32 to vector<1024x128xi32>
      %shift_left3A_48 = arith.shli %get3A_46, %shift_left3A_47 : vector<1024x128xi32>
      %bitcast_convert_type3A = tpu.bitcast %shift_left3A_48 : vector<1024x128xi32> -> vector<1024x128xf32>
      %and3A_49 = arith.constant -65536 : i32
      %and3A_50 = vector.broadcast %and3A_49 : i32 to vector<1024x128xi32>
      %and3A_51 = arith.andi %get3A_46, %and3A_50 : vector<1024x128xi32>
      %bitcast_convert_type3A_52 = tpu.bitcast %and3A_51 : vector<1024x128xi32> -> vector<1024x128xf32>
      %dot_general3A = arith.constant dense<0.000000e+00> : vector<128x128xf32>
      %dot_general3A_53 = tpu.matmul %select_n3A_43, %bitcast_convert_type3A, %dot_general3A {dimension_numbers = #tpu.dot_dimension_numbers<[1], [0], [0], [1], [0, 0, 1, 1], [], []>, transpose_lhs_hint = false} : vector<128x1024xf32>, vector<1024x128xf32>, vector<128x128xf32> -> vector<128x128xf32>
      %dot_general3A_54 = arith.constant dense<0.000000e+00> : vector<128x128xf32>
      %dot_general3A_55 = tpu.matmul %select_n3A_43, %bitcast_convert_type3A_52, %dot_general3A_54 {dimension_numbers = #tpu.dot_dimension_numbers<[1], [0], [0], [1], [0, 0, 1, 1], [], []>, transpose_lhs_hint = false} : vector<128x1024xf32>, vector<1024x128xf32>, vector<128x128xf32> -> vector<128x128xf32>
      %broadcast_in_dim3A_56 = arith.constant 1.000000e+00 : f32
      %broadcast_in_dim3A_57 = vector.broadcast %broadcast_in_dim3A_56 : f32 to vector<1024x1xf32>
      %dot_general3A_58 = arith.constant dense<0.000000e+00> : vector<128x1xf32>
      %dot_general3A_59 = tpu.matmul %select_n3A_43, %broadcast_in_dim3A_57, %dot_general3A_58 {dimension_numbers = #tpu.dot_dimension_numbers<[1], [0], [0], [1], [0, 0, 1, 1], [], []>, transpose_lhs_hint = false} : vector<128x1024xf32>, vector<1024x1xf32>, vector<128x1xf32> -> vector<128x1xf32>
      %get3A_60 = arith.index_cast %multiple_of3A : i32 to index
      %get3A_61 = arith.constant 0 : index
      %get3A_62 = vector.load %arg5[%get3A_60, %get3A_61] : memref<10240x256xf32, #tpu.memory_space<vmem>>, vector<128x128xf32>
      %add3A = arith.addf %get3A_62, %dot_general3A_53 : vector<128x128xf32>
      %swap3A = arith.index_cast %multiple_of3A : i32 to index
      %swap3A_63 = arith.constant 0 : index
      %swap3A_64 = vector.load %arg5[%swap3A, %swap3A_63] : memref<10240x256xf32, #tpu.memory_space<vmem>>, vector<128x128xf32>
      tpu.vector_store %arg5[%swap3A, %swap3A_63], %add3A {strides = array<i32>} : memref<10240x256xf32, #tpu.memory_space<vmem>>, vector<128x128xf32>,
      %get3A_65 = arith.index_cast %multiple_of3A : i32 to index
      %get3A_66 = arith.constant 128 : index
      %get3A_67 = vector.load %arg5[%get3A_65, %get3A_66] : memref<10240x256xf32, #tpu.memory_space<vmem>>, vector<128x128xf32>
      %add3A_68 = arith.addf %get3A_67, %dot_general3A_55 : vector<128x128xf32>
      %swap3A_69 = arith.index_cast %multiple_of3A : i32 to index
      %swap3A_70 = arith.constant 128 : index
      %swap3A_71 = vector.load %arg5[%swap3A_69, %swap3A_70] : memref<10240x256xf32, #tpu.memory_space<vmem>>, vector<128x128xf32>
      tpu.vector_store %arg5[%swap3A_69, %swap3A_70], %add3A_68 {strides = array<i32>} : memref<10240x256xf32, #tpu.memory_space<vmem>>, vector<128x128xf32>,
      %get3A_72 = arith.index_cast %multiple_of3A : i32 to index
      %get3A_73 = arith.constant 0 : index
      %get3A_74 = vector.load %arg6[%get3A_72, %get3A_73] : memref<10240x1xf32, #tpu.memory_space<vmem>>, vector<128x1xf32>
      %add3A_75 = arith.addf %get3A_74, %dot_general3A_59 : vector<128x1xf32>
      %swap3A_76 = arith.index_cast %multiple_of3A : i32 to index
      %swap3A_77 = arith.constant 0 : index
      %swap3A_78 = vector.load %arg6[%swap3A_76, %swap3A_77] : memref<10240x1xf32, #tpu.memory_space<vmem>>, vector<128x1xf32>
      tpu.vector_store %arg6[%swap3A_76, %swap3A_77], %add3A_75 {strides = array<i32>} : memref<10240x1xf32, #tpu.memory_space<vmem>>, vector<128x1xf32>,
    } else {
    }
    return
  }
  func.func @transform_0(%arg0: i32, %arg1: memref<78xi32, #tpu.memory_space<smem>>) -> (i32, i32) {
    %sub3A = arith.constant 10 : i32
    %sub3A_0 = arith.subi %arg0, %sub3A : i32
    %max3A = arith.constant 0 : i32
    %max3A_1 = arith.maxsi %sub3A_0, %max3A : i32
    %c0_i32 = arith.constant 0 : i32
    %c0_i32_2 = arith.constant 0 : i32
    return %max3A_1, %c0_i32 : i32, i32
  }
  func.func @transform_1(%arg0: i32, %arg1: memref<78xi32, #tpu.memory_space<smem>>) -> (i32, i32, i32) {
    %sub3A = arith.constant 10 : i32
    %sub3A_0 = arith.subi %arg0, %sub3A : i32
    %max3A = arith.constant 0 : i32
    %max3A_1 = arith.maxsi %sub3A_0, %max3A : i32
    %c0_i32 = arith.constant 0 : i32
    %c0_i32_2 = arith.constant 0 : i32
    %c0_i32_3 = arith.constant 0 : i32
    return %max3A_1, %c0_i32, %c0_i32_2 : i32, i32, i32
  }
  func.func @transform_2(%arg0: i32, %arg1: memref<78xi32, #tpu.memory_space<smem>>) -> (i32, i32, i32) {
    %sub3A = arith.constant 10 : i32
    %sub3A_0 = arith.subi %arg0, %sub3A : i32
    %max3A = arith.constant 0 : i32
    %max3A_1 = arith.maxsi %sub3A_0, %max3A : i32
    %c0_i32 = arith.constant 0 : i32
    %c0_i32_2 = arith.constant 0 : i32
    %c0_i32_3 = arith.constant 0 : i32
    return %max3A_1, %c0_i32, %c0_i32_2 : i32, i32, i32
  }
  func.func @transform_3(%arg0: i32, %arg1: memref<78xi32, #tpu.memory_space<smem>>) -> (i32, i32) {
    %c0_i32 = arith.constant 0 : i32
    %c0_i32_0 = arith.constant 0 : i32
    %c0_i32_1 = arith.constant 0 : i32
    return %c0_i32, %c0_i32_0 : i32, i32
  }
  func.func @transform_4(%arg0: i32, %arg1: memref<78xi32, #tpu.memory_space<smem>>) -> (i32, i32) {
    %c0_i32 = arith.constant 0 : i32
    %c0_i32_0 = arith.constant 0 : i32
    %c0_i32_1 = arith.constant 0 : i32
    return %c0_i32, %c0_i32_0 : i32, i32
  }
}

module attributes {stable_mosaic.version = 14 : i64} {
  func.func @_combine_body(%arg0: i32, %arg1: memref<1000x256xf32, #tpu.memory_space<vmem>>, %arg2: memref<1000x256xf32, #tpu.memory_space<vmem>>, %arg3: memref<1000x1xf32, #tpu.memory_space<vmem>>, %arg4: memref<1000x1xf32, #tpu.memory_space<vmem>>, %arg5: memref<1000x256xf32, #tpu.memory_space<vmem>>) attributes {dimension_semantics = [#tpu.dimension_semantics<arbitrary>], iteration_bounds = array<i64: 10>, scalar_prefetch = 0 : i64, scratch_operands = 0 : i64, tpu.core_type = #tpu.core_type<tc>, window_params = [{transform_indices = @transform_0, window_bounds = array<i64: 1000, 256>}, {transform_indices = @transform_1, window_bounds = array<i64: 1000, 256>}, {transform_indices = @transform_2, window_bounds = array<i64: 1000, 1>}, {transform_indices = @transform_3, window_bounds = array<i64: 1000, 1>}, {transform_indices = @transform_4, window_bounds = array<i64: 1000, 256>}]} {
    %get3A = arith.constant 0 : index
    %get3A_0 = arith.constant 0 : index
    %get3A_1 = vector.load %arg3[%get3A, %get3A_0] : memref<1000x1xf32, #tpu.memory_space<vmem>>, vector<1000x1xf32>
    %get3A_2 = arith.constant 0 : index
    %get3A_3 = arith.constant 0 : index
    %get3A_4 = vector.load %arg4[%get3A_2, %get3A_3] : memref<1000x1xf32, #tpu.memory_space<vmem>>, vector<1000x1xf32>
    %add3A = arith.addf %get3A_1, %get3A_4 : vector<1000x1xf32>
    %get3A_5 = arith.constant 0 : index
    %get3A_6 = arith.constant 0 : index
    %get3A_7 = vector.load %arg1[%get3A_5, %get3A_6] : memref<1000x256xf32, #tpu.memory_space<vmem>>, vector<1000x256xf32>
    %get3A_8 = arith.constant 0 : index
    %get3A_9 = arith.constant 0 : index
    %get3A_10 = vector.load %arg2[%get3A_8, %get3A_9] : memref<1000x256xf32, #tpu.memory_space<vmem>>, vector<1000x256xf32>
    %add3A_11 = arith.addf %get3A_7, %get3A_10 : vector<1000x256xf32>
    %gt3A = arith.constant 0.000000e+00 : f32
    %gt3A_12 = vector.broadcast %gt3A : f32 to vector<1000x1xf32>
    %gt3A_13 = arith.cmpf ogt, %add3A, %gt3A_12 : vector<1000x1xf32>
    %jit3A = arith.constant 1.000000e+00 : f32
    %broadcast_in_dim3A = vector.broadcast %jit3A : f32 to vector<1000x1xf32>
    %select_n3A = arith.select %gt3A_13, %add3A, %broadcast_in_dim3A : vector<1000x1xi1>, vector<1000x1xf32>
    %div3A = vector.broadcast %select_n3A : vector<1000x1xf32> to vector<1000x256xf32>
    %div3A_14 = arith.divf %add3A_11, %div3A : vector<1000x256xf32>
    %swap3A = arith.constant 0 : index
    %swap3A_15 = arith.constant 0 : index
    %swap3A_16 = vector.load %arg5[%swap3A, %swap3A_15] : memref<1000x256xf32, #tpu.memory_space<vmem>>, vector<1000x256xf32>
    tpu.vector_store %arg5[%swap3A, %swap3A_15], %div3A_14 {strides = array<i32>} : memref<1000x256xf32, #tpu.memory_space<vmem>>, vector<1000x256xf32>,
    return
  }
  func.func @transform_0(%arg0: i32) -> (i32, i32) {
    %c0_i32 = arith.constant 0 : i32
    %c0_i32_0 = arith.constant 0 : i32
    return %arg0, %c0_i32 : i32, i32
  }
  func.func @transform_1(%arg0: i32) -> (i32, i32) {
    %c0_i32 = arith.constant 0 : i32
    %c0_i32_0 = arith.constant 0 : i32
    return %arg0, %c0_i32 : i32, i32
  }
  func.func @transform_2(%arg0: i32) -> (i32, i32) {
    %c0_i32 = arith.constant 0 : i32
    %c0_i32_0 = arith.constant 0 : i32
    return %arg0, %c0_i32 : i32, i32
  }
  func.func @transform_3(%arg0: i32) -> (i32, i32) {
    %c0_i32 = arith.constant 0 : i32
    %c0_i32_0 = arith.constant 0 : i32
    return %arg0, %c0_i32 : i32, i32
  }
  func.func @transform_4(%arg0: i32) -> (i32, i32) {
    %c0_i32 = arith.constant 0 : i32
    %c0_i32_0 = arith.constant 0 : i32
    return %arg0, %c0_i32 : i32, i32
  }
}

</mosaic_0001>

<sc_bundles>
// kernel: kernel.11.cloned.1.call-start
scs
__scs_entry_jumppad:
0x0: {  	(pc) =	sbr.rel $0x88, $3  }
0x1: {  	(tag) =	ssettag $0x0;
	lr =	simm.s32 $0x1  }
0x2: {  	[smem:$0x3F9D] =	sst lr;
	_ =	strace $0xD0000000  }
0x3: {  	_ = 	snop  }
0x4: {  	_ = 	snop  }
0x5: {  	_ = 	snop  }
0x6: {  	_ = 	snop  }
0x7: {  	_ = 	snop  }
__scs_overlays_trampoline_lowered:
0x8: {  	[smem:$0x3FAC] =	sst s0  }
0x9: {  	[smem:$0x3FAD] =	sst s1  }
0xa: {  	[smem:$0x3FAE] =	sst s2  }
0xb: {  	[smem:$0x3FAF] =	sst s3  }
0xc: {  	[smem:$0x3FB0] =	sst s4  }
0xd: {  	[smem:$0x3FB1] =	sst s5  }
0xe: {  	[smem:$0x3FB2] =	sst s6  }
0xf: {  	[smem:$0x3FB3] =	sst s7  }
0x10: {  	[smem:$0x3FB4] =	sst s8  }
0x11: {  	[smem:$0x3FB5] =	sst s9;
	s0 =	simm.s32 @!p0 $0x0  }
0x12: {  	s1 =	sld [smem:$0x3F9B];
	s0 =	simm.s32 @p0 $0x1  }
0x13: {  	[smem:$0x3FB6] =	sst s0;
	s0 =	simm.s32 @!p1 $0x0  }
0x14: {  	s2 =	sld [smem:$0x3F9A];
	s0 =	simm.s32 @p1 $0x1  }
0x15: {  	[smem:$0x3FB7] =	sst s0;
	s0 =	simm.s32 @!p2 $0x0  }
0x16: {  	s3 =	sld [smem:$0x3FDB];
	s0 =	simm.s32 @p2 $0x1  }
0x17: {  	s4 =	simm.s32 $0x1BF5;
	[smem:$0x3FB9] =	sst s0  }
0x18: {  	s0 =	sld [smem:$0x3F9C];
	_ =	swait.ge [sflag:s4], $0x0  }
0x19: {  	s7 =	sld [smem:$0x3F9D]  }
0x1a: {  	s8 =	sadd.s32 $0xFFFFE003, lr  }
0x1b: {  	s9 =	sadd.s32 $0xFFFFFEF7, lr;
	s5 =	simm.s32 $0xFFFFFFFF;
	p2 =	slt.u32 s8, $0xFFFFF086  }
0x1c: {  	p1 =	slt.u32 s9, $0xF7A;
	s5 =	simm.s32 @!p2 $0x0  }
0x1d: {  	s5 =	simm.s32 @p1 $0x1;
	p0 =	seq.s32 s7, s2  }
0x1e: {  	s7 =	smul.u32 @!p0 $0xF7A, s2;
	p2 =	seq.s32 @!p0 s5, $0x0  }
0x1f: {  	s9 =	smul.u32 $0xF7A, s1;
	s8 =	simm.s32 @!p0 $0x1BF5;
	p2 =	por !p2, p0  }
0x20: {  	[sflag:s8] =	ssyncset.s32 @!p0 $0xFFFFF086;
	s6 =	sadd.s32 @!p0 s3, s7;
	s7 =	simm.s32 @!p0 $0x108  }
0x21: {  	s3 =	sadd.s32 s3, s9;
	s6 =	sadd.s32 @!p0 $0x88, s6;
	s7 =	simm.s32 @p2 $0x1082  }
0x22: {  	[simem:s7], [sflag:s8] =	dma.local @!p0 [hbm:s6], $0xF7A  }
0x23: {  	s9 =	sor.u32 $0xD0000000, s2;
	s6 =	simm.s32 $0x108;
	_ =	swait.ge @!p0 [sflag:s8], $0x0  }
0x24: {  	s3 =	sadd.s32 $0x88, s3;
	s6 =	simm.s32 @!p1 $0x1082;
	[sflag:s4] =	ssyncset.s32 $0xFFFFF086  }
0x25: {  	[simem:s6], [sflag:s4] =	dma.local [hbm:s3], $0xF7A  }
0x26: {  	[smem:$0x3F9D] =	sst s1;
	(tag) =	ssettag s2;
	_ =	strace s9  }
0x27: {  	s1 =	sld [smem:$0x3FAD]  }
0x28: {  	s2 =	sld [smem:$0x3FAE]  }
0x29: {  	s4 =	sld [smem:$0x3FB0]  }
0x2a: {  	p0 =	seq.s32 s5, $0x0;
	s5 =	sld [smem:$0x3FB1]  }
0x2b: {  	s6 =	sld [smem:$0x3FB2]  }
0x2c: {  	s7 =	sld [smem:$0x3FB3]  }
0x2d: {  	s3 =	simm.s32 $0x108;
	s8 =	sld [smem:$0x3FB4]  }
0x2e: {  	s3 =	simm.s32 @!p0 $0x1082;
	s9 =	sld [smem:$0x3FB5]  }
0x2f: {  	lr =	sadd.s32 s0, s3;
	s0 =	sld [smem:$0x3FAC]  }
0x30: {  	s3 =	sld [smem:$0x3FAF]  }
0x31: {  	[smem:$0x3FB8] =	sst s10  }
0x32: {  	s10 =	sld [smem:$0x3FB6];
	_ =	sdelay $0x3  }
0x33: {  	p0 =	seq.s32 s10, $0x1;
	s10 =	sld [smem:$0x3FB8];
	_ =	sdelay $0x3  }
0x34: {  	[smem:$0x3FB8] =	sst s10  }
0x35: {  	s10 =	sld [smem:$0x3FB7];
	_ =	sdelay $0x3  }
0x36: {  	p1 =	seq.s32 s10, $0x1;
	s10 =	sld [smem:$0x3FB8];
	_ =	sdelay $0x3  }
0x37: {  	[smem:$0x3FB8] =	sst s10  }
0x38: {  	s10 =	sld [smem:$0x3FB9]  }
0x39: {  	_ = 	snop;
	(pc) =	sbr.ind lr, $3  }
0x3a: {  	_ = 	snop  }
0x3b: {  	_ = 	snop  }
0x3c: {  	p2 =	seq.s32 s10, $0x1;
	s10 =	sld [smem:$0x3FB8]  }
0x3d: {  	_ =	shalt  }
0x3e: {  	_ =	shalt  }
0x3f: {  	_ =	shalt  }
0x40: {  	_ =	shalt  }
0x41: {  	_ =	shalt  }
0x42: {  	_ =	shalt  }
0x43: {  	_ =	shalt  }
0x44: {  	_ =	shalt  }
0x45: {  	_ =	shalt  }
0x46: {  	_ =	shalt  }
0x47: {  	_ =	shalt  }
0x48: {  	_ =	shalt  }
0x49: {  	_ =	shalt  }
0x4a: {  	_ =	shalt  }
0x4b: {  	_ =	shalt  }
0x4c: {  	_ =	shalt  }
0x4d: {  	_ =	shalt  }
0x4e: {  	_ =	shalt  }
0x4f: {  	_ =	shalt  }
0x50: {  	_ =	shalt  }
0x51: {  	_ =	shalt  }
0x52: {  	_ =	shalt  }
0x53: {  	_ =	shalt  }
0x54: {  	_ =	shalt  }
0x55: {  	_ =	shalt  }
0x56: {  	_ =	shalt  }
0x57: {  	_ =	shalt  }
0x58: {  	_ =	shalt  }
0x59: {  	_ =	shalt  }
0x5a: {  	_ =	shalt  }
0x5b: {  	_ =	shalt  }
0x5c: {  	_ =	shalt  }
0x5d: {  	_ =	shalt  }
0x5e: {  	_ =	shalt  }
0x5f: {  	_ =	shalt  }
0x60: {  	_ =	shalt  }
0x61: {  	_ =	shalt  }
0x62: {  	_ =	shalt  }
0x63: {  	_ =	shalt  }
0x64: {  	_ =	shalt  }
0x65: {  	_ =	shalt  }
0x66: {  	_ =	shalt  }
0x67: {  	_ =	shalt  }
0x68: {  	_ =	shalt  }
0x69: {  	_ =	shalt  }
0x6a: {  	_ =	shalt  }
0x6b: {  	_ =	shalt  }
0x6c: {  	_ =	shalt  }
0x6d: {  	_ =	shalt  }
0x6e: {  	_ =	shalt  }
0x6f: {  	_ =	shalt  }
0x70: {  	_ =	shalt  }
0x71: {  	_ =	shalt  }
0x72: {  	_ =	shalt  }
0x73: {  	_ =	shalt  }
0x74: {  	_ =	shalt  }
0x75: {  	_ =	shalt  }
0x76: {  	_ =	shalt  }
0x77: {  	_ =	shalt  }
0x78: {  	_ =	shalt  }
0x79: {  	_ =	shalt  }
0x7a: {  	_ =	shalt  }
0x7b: {  	_ =	shalt  }
0x7c: {  	_ =	shalt  }
0x7d: {  	_ =	shalt  }
0x7e: {  	_ =	shalt  }
0x7f: {  	_ =	shalt  }
0x80: {  	_ =	shalt  }
0x81: {  	_ =	shalt  }
0x82: {  	_ =	shalt  }
0x83: {  	_ =	shalt  }
0x84: {  	_ =	shalt  }
0x85: {  	_ =	shalt  }
0x86: {  	_ =	shalt  }
0x87: {  	_ =	shalt  }
.Lfunc_end0:
.L_simem_size_0:
called_computation.1_lowered:
.L_overlay_start_0:
0x88: {  	s2 =	sld [smem:$0x3FD9]  }
0x89: {  	s3 =	sld [smem:$0x3FFE];
	_ =	sdelay $0x1  }
0x8a: {  	s1 =	srdreg.scid  }
0x8b: {  	s0 =	sand.u32 $0x1, s1  }
0x8c: {  	s17 =	sshll.u32 s0, $0xA;
	s2 =	sadd.s32 s3, s2  }
0x8d: {  	s2 =	sadd.s32 s2, s17  }
0x8e: {  	[smem:$0x3FC4] =	sst s2  }
0x8f: {  	_ = 	snop  }
0x90: {  	s2 =	sld [smem:$0x3FD0];
	(tm) =	ssettm $0x1  }
0x91: {  	s18 =	sld [smem:$0x3FFB];
	_ =	sdelay $0x3  }
0x92: {  	_ =	strace s18  }
0x93: {  	s3 =	sld [smem:$0x3FFC];
	_ =	sdelay $0x3  }
0x94: {  	_ =	strace s3  }
0x95: {  	s3 =	sld [smem:$0x3FFD];
	_ =	sdelay $0x3  }
0x96: {  	_ =	strace s3  }
0x97: {  	_ =	strace $0x8FFFFFFF  }
0x98: {  	s19 =	sld [smem:$0x3FDB];
	_ =	sdelay $0x1  }
0x99: {  	s4 =	simm.s32 $_scs_section_size  }
0x9a: {  	s5 =	simm.s32 $_size__tile_overlayer_lowered;
	s6 =	simm.s32 $_tile_overlayer_lowered  }
0x9b: {  	s22 =	simm.s32 $0x1BFF;
	s21 =	sshll.u32 s6, $0x1;
	s3 =	sadd.s32 s4, s19  }
0x9c: {  	s7 =	simm.s32 $0x0;
	s20 =	sshll.u32 s5, $0x1;
	s5 =	sadd.s32 s21, s3  }
0x9d: {  	[timem:s7], [sflag:s22] =	dma.local [hbm:s5], s20  }
0x9e: {  	_ =	swait.ge [sflag:s22], s20  }
0x9f: {  	s4 =	ssub.s32 $0x0, s20;
	[sflag:s22] =	ssyncset.done $0x0  }
0xa0: {  	[sflag:s22] =	ssyncadd.s32 s4;
	_ =	sdelay $0x1  }
0xa1: {  	s23 =	simm.s32 $0x1B8B  }
0xa2: {  	_ =	swait.ge [sflag:s23], $0x1  }
0xa3: {  	[sflag:s23] =	ssyncset.done $0x0  }
0xa4: {  	s25 =	simm.s32 $0x1B8E;
	s24 =	sld [smem:$0x3FFE];
	[sflag:s23] =	ssyncadd.s32 $0xFFFFFFFF  }
0xa5: {  	s26 =	simm.s32 $execute0_lowered;
	[smem:$0x3FD2] =	sst s25  }
0xa6: {  	s5 =	sshll.u32 s26, $0x1;
	_ =	strace $0x80000046;
	[dreg:$0x1] =	wrdreg $0xFFFFFFFF  }
0xa7: {  	s28 =	simm.s32 $_size_execute0_lowered;
	s3 =	sadd.s32 s3, s5;
	[dreg:$0x0] =	wrdreg $0x0  }
0xa8: {  	s5 =	sshll.u32 s28, $0x1;
	[dreg:$0x2] =	wrdreg s3  }
0xa9: {  	[dreg:$0x3] =	wrdreg s5  }
0xaa: {  	[dreg:$0x4] =	wrdreg $0xC0  }
0xab: {  	_ =	task [dreg:s7], $0x5FFFF  }
0xac: {  	[dreg:$0x1] =	wrdreg $0xFFFFFFFF  }
0xad: {  	[dreg:$0x0] =	wrdreg $0x60  }
0xae: {  	[dreg:$0x2] =	wrdreg s24  }
0xaf: {  	[dreg:$0x3] =	wrdreg s2  }
0xb0: {  	[dreg:$0x4] =	wrdreg $0xA  }
0xb1: {  	_ =	task.clear_ibuf [dreg:s7], $0x5FFFF;
	_ =	strace $0x90000046  }
0xb2: {  	s29 =	simm.s32 $0xA;
	_ =	strace $0x80000048  }
0xb3: {  	_ =	swait.ge [sflag:s29], $0x1  }
0xb4: {  	[sflag:s29] =	ssyncadd.s32 $0xFFFFFFFF  }
0xb5: {  	_ =	strace $0x90000048  }
0xb6: {  	_ =	sfence  }
0xb7: {  	s30 =	sld [smem:$0x0];
	_ =	sdelay $0x2  }
0xb8: {  	s31 =	sshll.u32 s1, $0xD;
	s1 =	sshrl.u32 s1, $0x2  }
0xb9: {  	s3 =	sand.u32 $0x4000, s31;
	s1 =	sadd.s32 s1, s30  }
0xba: {  	s0 =	sor.u32 s3, s0;
	s1 =	sshll.u32 s1, $0x11  }
0xbb: {  	s0 =	sor.u32 s1, s0  }
0xbc: {  	s0 =	sadd.s32 $0x8F2B, s0  }
0xbd: {  	[sflag:s0] =	ssyncadd.remote.s32 $0x1  }
0xbe: {  	_ =	sfence.sel $0xFFFF  }
0xbf: {  	[dreg:$0x0] =	wrdreg $0xFFFFFFFF;
	(pc) =	sbr.abs _section_cstart, $3  }
0xc0: {  	[dreg:$0x1] =	wrdreg $0xFFFFFFFF  }
0xc1: {  	_ =	task.clear_ibuf [dreg:s7], $0x2FFFF;
	_ =	strace $0x9FFFFFFF  }
0xc2: {  	(tm) =	ssettm $0x7FFFFFFF  }
0xc3: {  	_ =	shalt  }
tec
execute0_lowered:
.L_overlay_start_1:
0x0: {  	(tag) =	ssettag $0x1  }
0x1: {  	s0 =	rddreg [dreg:$0x0]  }
0x2: {  	s1 =	srdreg.scid;
	s17 =	stileid.u32  }
0x3: {  	s7 =	rddreg [dreg:$0x1];
	s2 =	simm.s32 $0x0;
	s26 =	smul.u32 $0x13C0, s17  }
0x4: {  	s19 =	simm.s32 $0x3;
	s20 =	simm.s32 $0x2780;
	s16 =	smul.u32 $0x13C00, s17  }
0x5: {  	s1 =	sand.u32 $0x1, s1;
	s3 =	sshll.u32 s17, $0x1;
	s17 =	smul.u32 $0x9E000, s17  }
0x6: {  	s22 =	simm.s32 $0x5900;
	s24 =	simm.s32 $0x6D00;
	s15 =	smul.u32 $0x9E0, s1  }
0x7: {  	s28 =	simm.s32 $0x1;
	s29 =	simm.s32 $0x2;
	s18 =	smul.u32 $0x4F000, s1  }
0x8: {  	s5 =	sor.u32 s1, s3;
	s25 =	ssub.s32 $0x2, s1;
	s1 =	smul.u32 $0x9E00, s1  }
0x9: {  	[smem:$0x7FF] =	sst s2;
	s4 =	sadd.s32 $0x2600, s0;
	s6 =	smul.u32 $0x9E0, s5  }
0xa: {  	s14 =	sadd.s32 $0x2F200, s0;
	_ =	strace $0x80000047;
	s10 =	smul.u32 $0x4F000, s5  }
0xb: {  	s3 =	sadd.s32 $0x29800, s0;
	s11 =	sshrl.u32 s25, $0x1;
	s13 =	smul.u32 $0x9E00, s5  }
0xc: {  	s5 =	sadd.s32 $0x29810, s0;
	s16 =	sadd.s32 s16, s14;
	s11 =	ssub.s32 s25, s11  }
0xd: {  	s17 =	sadd.s32 s18, s17;
	s23 =	sadd.s32 s15, s26;
	s30 =	sadd.s32 s1, s16  }
0xe: {  	s18 =	simm.s32 $0x100;
	s26 =	simm.s32 $0xAD00;
	s1 =	simm.s32 $0x6280  }
0xf: {  	s8 =	sshrl.u32 s6, $0x3;
	s10 =	sshrl.u32 s10, $0x3;
	s11 =	smax.u32 s11, $0x1  }
0x10: {  	s13 =	sadd.s32 s13, s14;
	s31 =	sshrl.u32 s17, $0x3;
	s15 =	sadd.s32 $0x800, s30  }
0x11: {  	s17 =	simm.s32 $0x80;
	s9 =	sadd.s32 s8, s0;
	s7 =	sadd.s32 s7, s8  }
0x12: {  	s12 =	sadd.s32 s14, s10;
	s13 =	sadd.s32 $0x8800, s13;
	s16 =	sadd.s32 s31, s14  }
0x13: {  	s0 =	simm.s32 $0x0;
	s6 =	sadd.s32 $0x2A200, s9;
	s8 =	sadd.s32 $0x2CA00, s9  }
0x14: {  	s9 =	sadd.s32 $0x9000, s12;
	s10 =	sadd.s32 $0x9800, s12;
	s12 =	sadd.s32 $0x8000, s12  }
.LBB2_1:
0x15: {  	[tilespmem:s2], [sflag:$0x3] =	stream.strided.gather [hbm4b:s3+s17], $0x2780, s18, s17, $0x38;
	[tilespmem:$0xED00] =	vst v63  }
0x16: {  	_ =	swait.ge [sflag:s19], $0x2780  }
0x17: {  	[sflag:s19] =	ssyncset.done $0x0  }
0x18: {  	[sflag:s19] =	ssyncadd.s32 $0xFFFFD880  }
0x19: {  	[tilespmem:s20], [sflag:$0x3] =	stream.strided.gather [hbm4b:s5+s17], $0x2780, s18, s17, $0x38;
	[tilespmem:$0xED00] =	vst v63  }
0x1a: {  	_ =	swait.ge [sflag:s19], $0x2780  }
0x1b: {  	[sflag:s19] =	ssyncset.done $0x0  }
0x1c: {  	s14 =	simm.s32 $0x4F00;
	[sflag:s19] =	ssyncadd.s32 $0xFFFFD880  }
0x1d: {  	[tilespmem:s14], [sflag:$0x3] =	stream.linear.gather [hbm4b:s6+s2], $0x9E0, $0x38;
	[tilespmem:$0xED00] =	vst v63  }
0x1e: {  	_ =	swait.ge [sflag:s19], $0x9E0  }
0x1f: {  	[sflag:s19] =	ssyncset.done $0x0  }
0x20: {  	[sflag:s19] =	ssyncadd.s32 $0xFFFFF620  }
0x21: {  	[tilespmem:s22], [sflag:$0x3] =	stream.linear.gather [hbm4b:s7+s2], $0x9E0, $0x38;
	[tilespmem:$0xED00] =	vst v63  }
0x22: {  	_ =	swait.ge [sflag:s19], $0x9E0  }
0x23: {  	[sflag:s19] =	ssyncset.done $0x0  }
0x24: {  	s31 =	simm.s32 $0x0;
	[sflag:s19] =	ssyncadd.s32 $0xFFFFF620  }
0x25: {  	v0 =	vld [tilespmem:s31+$0x5900]  }
0x26: {  	v1 =	vld [tilespmem:s31+$0x4F00];
	_ =	sdelay $0x6  }
0x27: {  	v0 =	vld.idx.msk [tilespmem:v0+s20+$0x0], $0xffff  }
0x28: {  	v1 =	vld.idx.msk [tilespmem:v1+s2+$0x0], $0xffff;
	_ =	sdelay $0x4  }
0x29: {  	v0 =	vadd.f32 v0, v1;
	_ =	sdelay $0x1  }
0x2a: {  	v1 =	vmul.f32 $2.000000030e-01, v0;
	_ =	sdelay $0x1  }
0x2b: {  	v0 =	vmax.f32 v0, v1  }
0x2c: {  	v0 =	vmax.f32 v0, $-2.000000000e+00  }
0x2d: {  	v0 =	vmin.f32 v0, $2.000000000e+00  }
0x2e: {  	v0 =	vmul.f32 $1.442695020e+00, v0;
	_ =	sdelay $0x1  }
0x2f: {  	(erf) = vpow2.f32 v0;
	_ =	sdelay $0x2  }
0x30: {  	s21 =	simm.s32 $0x10  }
0x31: {  	v0 =	vld [tilespmem:s21+$0x5900]  }
0x32: {  	v1 =	vld [tilespmem:s21+$0x4F00];
	_ =	sdelay $0x3  }
0x33: {  	p0 =	slt.u32 s23, $0x13900;
	v2 =	vpop (erf)  }
0x34: {  	v2 =	vpsel !p0, $0x0, v2  }
0x35: {  	[tilespmem:s31+$0x6300] =	vst v2  }
0x36: {  	v0 =	vld.idx.msk [tilespmem:v0+s20+$0x0], $0xffff  }
0x37: {  	v1 =	vld.idx.msk [tilespmem:v1+s2+$0x0], $0xffff;
	_ =	sdelay $0x4  }
0x38: {  	v0 =	vadd.f32 v0, v1;
	_ =	sdelay $0x1  }
0x39: {  	v1 =	vmul.f32 $2.000000030e-01, v0;
	_ =	sdelay $0x1  }
0x3a: {  	v0 =	vmax.f32 v0, v1  }
0x3b: {  	v0 =	vmax.f32 v0, $-2.000000000e+00  }
0x3c: {  	v0 =	vmin.f32 v0, $2.000000000e+00  }
0x3d: {  	v0 =	vmul.f32 $1.442695020e+00, v0;
	_ =	sdelay $0x1  }
0x3e: {  	(erf) = vpow2.f32 v0;
	_ =	sdelay $0x2  }
0x3f: {  	s30 =	simm.s32 $0x20  }
0x40: {  	s25 =	simm.s32 $0xC0;
	s14 =	smov.u32 s23;
	v0 =	vld [tilespmem:s30+$0x5900]  }
.LBB2_2:
0x41: {  	p0 =	sne.s32 s25, $0x2740;
	v1 =	vld [tilespmem:s30+$0x4F00];
	_ =	sdelay $0x2  }
0x42: {  	s14 =	sadd.s32 $0x10, s14  }
0x43: {  	p1 =	slt.u32 s14, $0x13900;
	v2 =	vpop (erf)  }
0x44: {  	v2 =	vpsel !p1, $0x0, v2  }
0x45: {  	[tilespmem:s21+$0x6300] =	vst v2;
	s21 =	smov.u32 s30  }
0x46: {  	v0 =	vld.idx.msk [tilespmem:v0+s20+$0x0], $0xffff  }
0x47: {  	v1 =	vld.idx.msk [tilespmem:v1+s2+$0x0], $0xffff;
	_ =	sdelay $0x5  }
0x48: {  	v0 =	vadd.f32 v0, v1;
	_ =	sdelay $0x1  }
0x49: {  	v1 =	vmul.f32 $2.000000030e-01, v0;
	_ =	sdelay $0x1  }
0x4a: {  	v0 =	vmax.f32 v0, v1  }
0x4b: {  	v0 =	vmax.f32 v0, $-2.000000000e+00  }
0x4c: {  	v0 =	vmin.f32 v0, $2.000000000e+00  }
0x4d: {  	v0 =	vmul.f32 $1.442695020e+00, v0;
	_ =	sdelay $0x1  }
.Ltmp0:
0x4e: {  	(erf) = vpow2.f32 v0;
	(pc) =	sbr.rel @p0 .LBB2_2-.Ltmp0, $3  }
0x4f: {  	_ =	sdelay $0x1  }
0x50: {  	s30 =	sshra.s32 s25, $0x2  }
0x51: {  	s25 =	sadd.s32 $0x40, s25;
	v0 =	vld [tilespmem:s30+$0x5900]  }
0x52: {  	_ = 	snop  }
0x53: {  	v1 =	vld [tilespmem:s30+$0x4F00];
	_ =	sdelay $0x2  }
0x54: {  	s14 =	sadd.s32 $0x10, s14  }
0x55: {  	p0 =	slt.u32 s14, $0x13900;
	v2 =	vpop (erf)  }
0x56: {  	v2 =	vpsel !p0, $0x0, v2  }
0x57: {  	[tilespmem:s21+$0x6300] =	vst v2  }
0x58: {  	v0 =	vld.idx.msk [tilespmem:v0+s20+$0x0], $0xffff  }
0x59: {  	v1 =	vld.idx.msk [tilespmem:v1+s2+$0x0], $0xffff;
	_ =	sdelay $0x4  }
0x5a: {  	v0 =	vadd.f32 v0, v1;
	_ =	sdelay $0x1  }
0x5b: {  	v1 =	vmul.f32 $2.000000030e-01, v0;
	_ =	sdelay $0x1  }
0x5c: {  	v0 =	vmax.f32 v0, v1  }
0x5d: {  	v0 =	vmax.f32 v0, $-2.000000000e+00  }
0x5e: {  	v0 =	vmin.f32 v0, $2.000000000e+00  }
0x5f: {  	v0 =	vmul.f32 $1.442695020e+00, v0;
	_ =	sdelay $0x1  }
0x60: {  	(erf) = vpow2.f32 v0;
	_ =	sdelay $0x7  }
0x61: {  	s14 =	sadd.s32 $0x10, s14  }
0x62: {  	p6 =	slt.u32 s14, $0x13900;
	v0 =	vpop (erf)  }
0x63: {  	v0 =	vpsel !p6, $0x0, v0  }
0x64: {  	s31 =	simm.s32 $0x6300;
	[tilespmem:s30+$0x6300] =	vst v0;
	s30 =	simm.s32 $0x0  }
0x65: {  	[hbm4b:s8+s30] =	stream.linear.scatter [tilespmem:s31], [sflag:$0x3], $0x9E0, $0x38;
	[tilespmem:$0xED00] =	vst v63  }
0x66: {  	_ =	swait.ge [sflag:s19], $0x9E0  }
0x67: {  	[sflag:s19] =	ssyncset.done $0x0  }
0x68: {  	[sflag:s19] =	ssyncadd.s32 $0xFFFFF620  }
0x69: {  	[tilespmem:s24], [sflag:$0x1] =	stream.indirect.gather [hbm4b:s4+s17], $0x80, s22, s17, $0xb8;
	[tilespmem:$0xED00] =	vst v63  }
0x6a: {  	s21 =	simm.s32 $0x5980  }
0x6b: {  	[tilespmem:s26], [sflag:$0x2] =	stream.indirect.gather [hbm4b:s4+s17], $0x80, s21, s17, $0xb8;
	[tilespmem:$0xED00] =	vst v63  }
0x6c: {  	_ =	swait.ge [sflag:s28], $0x4000  }
0x6d: {  	[sflag:s28] =	ssyncset.done $0x0  }
0x6e: {  	s25 =	sadd.s32 $0x0, s16;
	[sflag:s28] =	ssyncadd.s32 $0xFFFFC000  }
0x6f: {  	[hbm4b:s25+s2] =	stream.linear.scatter [tilespmem:s24], [sflag:$0x3], $0x4000, $0x38;
	[tilespmem:$0xED00] =	vst v63  }
0x70: {  	_ =	swait.ge [sflag:s19], $0x4000  }
0x71: {  	[sflag:s19] =	ssyncset.done $0x0  }
0x72: {  	s30 =	simm.s32 $0x5A00;
	[sflag:s19] =	ssyncadd.s32 $0xFFFFC000  }
0x73: {  	[tilespmem:s24], [sflag:$0x1] =	stream.indirect.gather [hbm4b:s4+s17], $0x80, s30, s17, $0xb8;
	[tilespmem:$0xED00] =	vst v63  }
0x74: {  	_ =	swait.ge [sflag:s29], $0x4000  }
0x75: {  	[sflag:s29] =	ssyncset.done $0x0  }
0x76: {  	s31 =	sadd.s32 $0x0, s15;
	[sflag:s29] =	ssyncadd.s32 $0xFFFFC000  }
0x77: {  	[hbm4b:s31+s2] =	stream.linear.scatter [tilespmem:s26], [sflag:$0x3], $0x4000, $0x38;
	[tilespmem:$0xED00] =	vst v63  }
0x78: {  	_ =	swait.ge [sflag:s19], $0x4000  }
0x79: {  	s14 =	simm.s32 $0x5A80;
	[sflag:s19] =	ssyncset.done $0x0  }
0x7a: {  	s21 =	simm.s32 $0x1000;
	s25 =	simm.s32 $0x5B80;
	[sflag:s19] =	ssyncadd.s32 $0xFFFFC000  }
.LBB2_4:
0x7b: {  	[tilespmem:s26], [sflag:$0x2] =	stream.indirect.gather [hbm4b:s4+s17], $0x80, s14, s17, $0xb8;
	[tilespmem:$0xED00] =	vst v63  }
0x7c: {  	s30 =	smov.u32 s21;
	s14 =	smov.u32 s25  }
0x7d: {  	p0 =	sne.s32 s21, $0x7000;
	s21 =	sadd.s32 $0x1000, s21;
	_ =	swait.ge [sflag:s28], $0x4000  }
0x7e: {  	[sflag:s28] =	ssyncset.done $0x0  }
0x7f: {  	s31 =	sadd.s32 s30, s16;
	[sflag:s28] =	ssyncadd.s32 $0xFFFFC000  }
0x80: {  	[hbm4b:s31+s2] =	stream.linear.scatter [tilespmem:s24], [sflag:$0x3], $0x4000, $0x38;
	[tilespmem:$0xED00] =	vst v63  }
0x81: {  	_ =	swait.ge [sflag:s19], $0x4000  }
0x82: {  	[sflag:s19] =	ssyncset.done $0x0  }
0x83: {  	s31 =	sadd.s32 $0xFFFFFF80, s25;
	[sflag:s19] =	ssyncadd.s32 $0xFFFFC000  }
0x84: {  	[tilespmem:s24], [sflag:$0x1] =	stream.indirect.gather [hbm4b:s4+s17], $0x80, s31, s17, $0xb8;
	[tilespmem:$0xED00] =	vst v63  }
0x85: {  	_ =	swait.ge [sflag:s29], $0x4000  }
0x86: {  	[sflag:s29] =	ssyncset.done $0x0  }
.Ltmp1:
0x87: {  	s30 =	sadd.s32 s30, s15;
	[sflag:s29] =	ssyncadd.s32 $0xFFFFC000;
	(pc) =	sbr.rel @p0 .LBB2_4-.Ltmp1, $4  }
0x88: {  	[hbm4b:s30+s2] =	stream.linear.scatter [tilespmem:s26], [sflag:$0x3], $0x4000, $0x38;
	[tilespmem:$0xED00] =	vst v63  }
0x89: {  	_ =	swait.ge [sflag:s19], $0x4000  }
0x8a: {  	[sflag:s19] =	ssyncset.done $0x0  }
0x8b: {  	s25 =	sadd.s32 $0x100, s25;
	[sflag:s19] =	ssyncadd.s32 $0xFFFFC000  }
0x8c: {  	[tilespmem:s26], [sflag:$0x2] =	stream.indirect.gather [hbm4b:s4+s17], $0x80, s14, s17, $0xb8;
	[tilespmem:$0xED00] =	vst v63  }
0x8d: {  	_ =	swait.ge [sflag:s28], $0x4000  }
0x8e: {  	[sflag:s28] =	ssyncset.done $0x0  }
0x8f: {  	[sflag:s28] =	ssyncadd.s32 $0xFFFFC000  }
0x90: {  	[hbm4b:s12+s2] =	stream.linear.scatter [tilespmem:s24], [sflag:$0x3], $0x4000, $0x38;
	[tilespmem:$0xED00] =	vst v63  }
0x91: {  	_ =	swait.ge [sflag:s19], $0x4000  }
0x92: {  	[sflag:s19] =	ssyncset.done $0x0  }
0x93: {  	s30 =	simm.s32 $0x6200;
	[sflag:s19] =	ssyncadd.s32 $0xFFFFC000  }
0x94: {  	[tilespmem:s24], [sflag:$0x1] =	stream.indirect.gather [hbm4b:s4+s17], $0x80, s30, s17, $0xb8;
	[tilespmem:$0xED00] =	vst v63  }
0x95: {  	_ =	swait.ge [sflag:s29], $0x4000  }
0x96: {  	[sflag:s29] =	ssyncset.done $0x0  }
0x97: {  	[sflag:s29] =	ssyncadd.s32 $0xFFFFC000  }
0x98: {  	[hbm4b:s13+s2] =	stream.linear.scatter [tilespmem:s26], [sflag:$0x3], $0x4000, $0x38;
	[tilespmem:$0xED00] =	vst v63  }
0x99: {  	_ =	swait.ge [sflag:s19], $0x4000  }
0x9a: {  	[sflag:s19] =	ssyncset.done $0x0  }
0x9b: {  	[sflag:s19] =	ssyncadd.s32 $0xFFFFC000  }
0x9c: {  	_ =	swait.ge [sflag:s28], $0x4000  }
0x9d: {  	[sflag:s28] =	ssyncset.done $0x0  }
0x9e: {  	[sflag:s28] =	ssyncadd.s32 $0xFFFFC000  }
0x9f: {  	[hbm4b:s9+s2] =	stream.linear.scatter [tilespmem:s24], [sflag:$0x3], $0x4000, $0x38;
	[tilespmem:$0xED00] =	vst v63  }
0xa0: {  	_ =	swait.ge [sflag:s19], $0x4000  }
0xa1: {  	[sflag:s19] =	ssyncset.done $0x0  }
0xa2: {  	s31 =	simm.s32 $0x60;
	[sflag:s19] =	ssyncadd.s32 $0xFFFFC000  }
0xa3: {  	[tilespmem:s24], [sflag:$0x1] =	stream.indirect.gather [hbm4b:s4+s31], $0x80, s1, s31, $0xb8;
	[tilespmem:$0xED00] =	vst v63  }
0xa4: {  	s0 =	sadd.s32 $0x1, s0;
	_ =	swait.ge [sflag:s28], $0x3000  }
0xa5: {  	p0 =	sne.s32 s0, s11;
	[sflag:s28] =	ssyncset.done $0x0  }
.Ltmp2:
0xa6: {  	[sflag:s28] =	ssyncadd.s32 $0xFFFFD000;
	(pc) =	sbr.rel @p0 .LBB2_1-.Ltmp2, $4  }
0xa7: {  	[hbm4b:s10+s2] =	stream.linear.scatter [tilespmem:s24], [sflag:$0x3], $0x3000, $0x38;
	[tilespmem:$0xED00] =	vst v63  }
0xa8: {  	_ =	swait.ge [sflag:s19], $0x3000  }
0xa9: {  	[sflag:s19] =	ssyncset.done $0x0  }
0xaa: {  	[sflag:s19] =	ssyncadd.s32 $0xFFFFD000  }
0xab: {  	_ =	sfence.sel $0x180000  }
0xac: {  	[bflag:$0x0] =	sbarrier.arrive $0xFFFF  }
0xad: {  	_ =	strace $0x90000047  }
0xae: {  	s0 =	stileid.u32;
	[bflag:$0x2] =	sbarrier.arrive $0xFFFF  }
0xaf: {  	p0 =	sne.s32 s0, $0x0;
	s0 =	rddreg [dreg:$0x2]  }
0xb0: {  	s0 =	sadd.s32 @!p0 $0x100000, s0  }
0xb1: {  	[sflag:s0] =	ssyncadd.tile.s32 @!p0 $0x1;
	_ =	shalt  }
.Lfunc_end2:
_tile_overlayer_lowered:
.L_overlay_start_2:
0xb2: {  	(tag) =	ssettag $0x2  }
0xb3: {  	s0 =	rddreg [dreg:$0x0];
	s2 =	stileid.u32  }
0xb4: {  	s1 =	rddreg [dreg:$0x1];
	p0 =	sne.s32 s2, $0x0  }
0xb5: {  	s3 =	rddreg [dreg:$0x2];
	[bflag:$0x3] =	sbarrier.arrive $0xFFFF;
	s2 =	simm.s32 @!p0 $0x1C03  }
0xb6: {  	[timem:s3], [sflag:s2] =	dma.local @!p0 [hbm:s0], s1  }
0xb7: {  	s0 =	simm.s32 @!p0 $0x3  }
0xb8: {  	_ =	swait.ge @!p0 [sflag:s0], s1  }
0xb9: {  	s1 =	ssub.s32 @!p0 $0x0, s1;
	[sflag:s0] =	ssyncset.done @!p0 $0x0  }
0xba: {  	[sflag:s0] =	ssyncadd.s32 @!p0 s1  }
0xbb: {  	[bflag:$0x3] =	sbarrier.arrive $0xFFFF  }
0xbc: {  	_ =	shalt  }

// kernel: kernel.8.cloned.1.call-start
scs
__scs_entry_jumppad:
0x0: {  	(pc) =	sbr.rel $0x88, $3  }
0x1: {  	(tag) =	ssettag $0x0;
	lr =	simm.s32 $0x1  }
0x2: {  	[smem:$0x3F9D] =	sst lr;
	_ =	strace $0xD0000000  }
0x3: {  	_ = 	snop  }
0x4: {  	_ = 	snop  }
0x5: {  	_ = 	snop  }
0x6: {  	_ = 	snop  }
0x7: {  	_ = 	snop  }
__scs_overlays_trampoline_lowered:
0x8: {  	[smem:$0x3FAC] =	sst s0  }
0x9: {  	[smem:$0x3FAD] =	sst s1  }
0xa: {  	[smem:$0x3FAE] =	sst s2  }
0xb: {  	[smem:$0x3FAF] =	sst s3  }
0xc: {  	[smem:$0x3FB0] =	sst s4  }
0xd: {  	[smem:$0x3FB1] =	sst s5  }
0xe: {  	[smem:$0x3FB2] =	sst s6  }
0xf: {  	[smem:$0x3FB3] =	sst s7  }
0x10: {  	[smem:$0x3FB4] =	sst s8  }
0x11: {  	[smem:$0x3FB5] =	sst s9;
	s0 =	simm.s32 @!p0 $0x0  }
0x12: {  	s1 =	sld [smem:$0x3F9B];
	s0 =	simm.s32 @p0 $0x1  }
0x13: {  	[smem:$0x3FB6] =	sst s0;
	s0 =	simm.s32 @!p1 $0x0  }
0x14: {  	s2 =	sld [smem:$0x3F9A];
	s0 =	simm.s32 @p1 $0x1  }
0x15: {  	[smem:$0x3FB7] =	sst s0;
	s0 =	simm.s32 @!p2 $0x0  }
0x16: {  	s3 =	sld [smem:$0x3FDB];
	s0 =	simm.s32 @p2 $0x1  }
0x17: {  	s4 =	simm.s32 $0x1BF5;
	[smem:$0x3FB9] =	sst s0  }
0x18: {  	s0 =	sld [smem:$0x3F9C];
	_ =	swait.ge [sflag:s4], $0x0  }
0x19: {  	s7 =	sld [smem:$0x3F9D]  }
0x1a: {  	s8 =	sadd.s32 $0xFFFFE003, lr  }
0x1b: {  	s9 =	sadd.s32 $0xFFFFFEF7, lr;
	s5 =	simm.s32 $0xFFFFFFFF;
	p2 =	slt.u32 s8, $0xFFFFF086  }
0x1c: {  	p1 =	slt.u32 s9, $0xF7A;
	s5 =	simm.s32 @!p2 $0x0  }
0x1d: {  	s5 =	simm.s32 @p1 $0x1;
	p0 =	seq.s32 s7, s2  }
0x1e: {  	s7 =	smul.u32 @!p0 $0xF7A, s2;
	p2 =	seq.s32 @!p0 s5, $0x0  }
0x1f: {  	s9 =	smul.u32 $0xF7A, s1;
	s8 =	simm.s32 @!p0 $0x1BF5;
	p2 =	por !p2, p0  }
0x20: {  	[sflag:s8] =	ssyncset.s32 @!p0 $0xFFFFF086;
	s6 =	sadd.s32 @!p0 s3, s7;
	s7 =	simm.s32 @!p0 $0x108  }
0x21: {  	s3 =	sadd.s32 s3, s9;
	s6 =	sadd.s32 @!p0 $0x88, s6;
	s7 =	simm.s32 @p2 $0x1082  }
0x22: {  	[simem:s7], [sflag:s8] =	dma.local @!p0 [hbm:s6], $0xF7A  }
0x23: {  	s9 =	sor.u32 $0xD0000000, s2;
	s6 =	simm.s32 $0x108;
	_ =	swait.ge @!p0 [sflag:s8], $0x0  }
0x24: {  	s3 =	sadd.s32 $0x88, s3;
	s6 =	simm.s32 @!p1 $0x1082;
	[sflag:s4] =	ssyncset.s32 $0xFFFFF086  }
0x25: {  	[simem:s6], [sflag:s4] =	dma.local [hbm:s3], $0xF7A  }
0x26: {  	[smem:$0x3F9D] =	sst s1;
	(tag) =	ssettag s2;
	_ =	strace s9  }
0x27: {  	s1 =	sld [smem:$0x3FAD]  }
0x28: {  	s2 =	sld [smem:$0x3FAE]  }
0x29: {  	s4 =	sld [smem:$0x3FB0]  }
0x2a: {  	p0 =	seq.s32 s5, $0x0;
	s5 =	sld [smem:$0x3FB1]  }
0x2b: {  	s6 =	sld [smem:$0x3FB2]  }
0x2c: {  	s7 =	sld [smem:$0x3FB3]  }
0x2d: {  	s3 =	simm.s32 $0x108;
	s8 =	sld [smem:$0x3FB4]  }
0x2e: {  	s3 =	simm.s32 @!p0 $0x1082;
	s9 =	sld [smem:$0x3FB5]  }
0x2f: {  	lr =	sadd.s32 s0, s3;
	s0 =	sld [smem:$0x3FAC]  }
0x30: {  	s3 =	sld [smem:$0x3FAF]  }
0x31: {  	[smem:$0x3FB8] =	sst s10  }
0x32: {  	s10 =	sld [smem:$0x3FB6];
	_ =	sdelay $0x3  }
0x33: {  	p0 =	seq.s32 s10, $0x1;
	s10 =	sld [smem:$0x3FB8];
	_ =	sdelay $0x3  }
0x34: {  	[smem:$0x3FB8] =	sst s10  }
0x35: {  	s10 =	sld [smem:$0x3FB7];
	_ =	sdelay $0x3  }
0x36: {  	p1 =	seq.s32 s10, $0x1;
	s10 =	sld [smem:$0x3FB8];
	_ =	sdelay $0x3  }
0x37: {  	[smem:$0x3FB8] =	sst s10  }
0x38: {  	s10 =	sld [smem:$0x3FB9]  }
0x39: {  	_ = 	snop;
	(pc) =	sbr.ind lr, $3  }
0x3a: {  	_ = 	snop  }
0x3b: {  	_ = 	snop  }
0x3c: {  	p2 =	seq.s32 s10, $0x1;
	s10 =	sld [smem:$0x3FB8]  }
0x3d: {  	_ =	shalt  }
0x3e: {  	_ =	shalt  }
0x3f: {  	_ =	shalt  }
0x40: {  	_ =	shalt  }
0x41: {  	_ =	shalt  }
0x42: {  	_ =	shalt  }
0x43: {  	_ =	shalt  }
0x44: {  	_ =	shalt  }
0x45: {  	_ =	shalt  }
0x46: {  	_ =	shalt  }
0x47: {  	_ =	shalt  }
0x48: {  	_ =	shalt  }
0x49: {  	_ =	shalt  }
0x4a: {  	_ =	shalt  }
0x4b: {  	_ =	shalt  }
0x4c: {  	_ =	shalt  }
0x4d: {  	_ =	shalt  }
0x4e: {  	_ =	shalt  }
0x4f: {  	_ =	shalt  }
0x50: {  	_ =	shalt  }
0x51: {  	_ =	shalt  }
0x52: {  	_ =	shalt  }
0x53: {  	_ =	shalt  }
0x54: {  	_ =	shalt  }
0x55: {  	_ =	shalt  }
0x56: {  	_ =	shalt  }
0x57: {  	_ =	shalt  }
0x58: {  	_ =	shalt  }
0x59: {  	_ =	shalt  }
0x5a: {  	_ =	shalt  }
0x5b: {  	_ =	shalt  }
0x5c: {  	_ =	shalt  }
0x5d: {  	_ =	shalt  }
0x5e: {  	_ =	shalt  }
0x5f: {  	_ =	shalt  }
0x60: {  	_ =	shalt  }
0x61: {  	_ =	shalt  }
0x62: {  	_ =	shalt  }
0x63: {  	_ =	shalt  }
0x64: {  	_ =	shalt  }
0x65: {  	_ =	shalt  }
0x66: {  	_ =	shalt  }
0x67: {  	_ =	shalt  }
0x68: {  	_ =	shalt  }
0x69: {  	_ =	shalt  }
0x6a: {  	_ =	shalt  }
0x6b: {  	_ =	shalt  }
0x6c: {  	_ =	shalt  }
0x6d: {  	_ =	shalt  }
0x6e: {  	_ =	shalt  }
0x6f: {  	_ =	shalt  }
0x70: {  	_ =	shalt  }
0x71: {  	_ =	shalt  }
0x72: {  	_ =	shalt  }
0x73: {  	_ =	shalt  }
0x74: {  	_ =	shalt  }
0x75: {  	_ =	shalt  }
0x76: {  	_ =	shalt  }
0x77: {  	_ =	shalt  }
0x78: {  	_ =	shalt  }
0x79: {  	_ =	shalt  }
0x7a: {  	_ =	shalt  }
0x7b: {  	_ =	shalt  }
0x7c: {  	_ =	shalt  }
0x7d: {  	_ =	shalt  }
0x7e: {  	_ =	shalt  }
0x7f: {  	_ =	shalt  }
0x80: {  	_ =	shalt  }
0x81: {  	_ =	shalt  }
0x82: {  	_ =	shalt  }
0x83: {  	_ =	shalt  }
0x84: {  	_ =	shalt  }
0x85: {  	_ =	shalt  }
0x86: {  	_ =	shalt  }
0x87: {  	_ =	shalt  }
.Lfunc_end0:
.L_simem_size_0:
called_computation_lowered:
.L_overlay_start_0:
0x88: {  	s2 =	sld [smem:$0x3FD9]  }
0x89: {  	s3 =	sld [smem:$0x3FFE];
	_ =	sdelay $0x1  }
0x8a: {  	s1 =	srdreg.scid  }
0x8b: {  	s0 =	sand.u32 $0x1, s1  }
0x8c: {  	s17 =	sshll.u32 s0, $0xA;
	s2 =	sadd.s32 s3, s2  }
0x8d: {  	s2 =	sadd.s32 s2, s17  }
0x8e: {  	[smem:$0x3FC4] =	sst s2  }
0x8f: {  	_ = 	snop  }
0x90: {  	(tm) =	ssettm $0x1  }
0x91: {  	s18 =	sld [smem:$0x3FFB];
	_ =	sdelay $0x3  }
0x92: {  	_ =	strace s18  }
0x93: {  	s2 =	sld [smem:$0x3FFC];
	_ =	sdelay $0x3  }
0x94: {  	_ =	strace s2  }
0x95: {  	s2 =	sld [smem:$0x3FFD];
	_ =	sdelay $0x3  }
0x96: {  	_ =	strace s2  }
0x97: {  	_ =	strace $0x8FFFFFFF  }
0x98: {  	s19 =	sld [smem:$0x3FDB];
	_ =	sdelay $0x1  }
0x99: {  	s20 =	simm.s32 $_scs_section_size  }
0x9a: {  	s4 =	simm.s32 $_size__tile_overlayer_lowered;
	s5 =	simm.s32 $_tile_overlayer_lowered  }
0x9b: {  	s6 =	simm.s32 $0x1BFF;
	s21 =	sshll.u32 s5, $0x1;
	s3 =	sadd.s32 s20, s19  }
0x9c: {  	s22 =	simm.s32 $0x0;
	s4 =	sshll.u32 s4, $0x1;
	s5 =	sadd.s32 s21, s3  }
0x9d: {  	[timem:s22], [sflag:s6] =	dma.local [hbm:s5], s4  }
0x9e: {  	_ =	swait.ge [sflag:s6], s4  }
0x9f: {  	s4 =	ssub.s32 $0x0, s4;
	[sflag:s6] =	ssyncset.done $0x0  }
0xa0: {  	[sflag:s6] =	ssyncadd.s32 s4;
	_ =	sdelay $0x1  }
0xa1: {  	s23 =	simm.s32 $0x1B8B  }
0xa2: {  	_ =	swait.ge [sflag:s23], $0x1  }
0xa3: {  	[sflag:s23] =	ssyncset.done $0x0  }
0xa4: {  	[sflag:s23] =	ssyncadd.s32 $0xFFFFFFFF  }
0xa5: {  	s4 =	sld [smem:$0x0]  }
0xa6: {  	s5 =	sand.u32 $0xFFFFFFFE, s1  }
0xa7: {  	p0 =	sne.s32 s1, s5  }
0xa8: {  	s5 =	sshll.u32 @p0 s5, $0xE  }
0xa9: {  	s5 =	sadd.s32 @p0 $0x11B8D, s5;
	s6 =	sshll.u32 @p0 s4, $0x11  }
0xaa: {  	s5 =	sor.u32 @p0 s6, s5  }
0xab: {  	[sflag:s5] =	ssyncadd.remote.s32 @p0 $0x1;
	_ =	sdelay $0x1  }
0xac: {  	s5 =	simm.s32 @p0 $0x1B8D  }
0xad: {  	_ =	swait.eq @p0 [sflag:s5], $0x1  }
0xae: {  	[sflag:s5] =	ssyncadd.s32 @p0 $0xFFFFFFFF  }
0xaf: {  	s6 =	sshll.u32 @!p0 s1, $0xE  }
0xb0: {  	s6 =	sor.u32 @!p0 $0x4000, s6;
	s5 =	simm.s32 @!p0 $0x1B8D  }
0xb1: {  	s4 =	sshll.u32 @!p0 s4, $0x11;
	s6 =	sadd.s32 @!p0 $0x11B8D, s6;
	_ =	swait.eq @!p0 [sflag:s5], $0x1  }
0xb2: {  	s4 =	sor.u32 @!p0 s4, s6;
	[sflag:s5] =	ssyncadd.s32 @!p0 $0xFFFFFFFF  }
0xb3: {  	s25 =	simm.s32 $0x1B8E;
	s24 =	sld [smem:$0x3FFE];
	[sflag:s4] =	ssyncadd.remote.s32 @!p0 $0x1  }
0xb4: {  	s26 =	simm.s32 $execute0_lowered;
	[smem:$0x3FD2] =	sst s25  }
0xb5: {  	s5 =	sshll.u32 s26, $0x1;
	_ =	strace $0x80000049;
	[dreg:$0x1] =	wrdreg $0xFFFFFFFF  }
0xb6: {  	s28 =	simm.s32 $_size_execute0_lowered;
	s3 =	sadd.s32 s3, s5;
	[dreg:$0x0] =	wrdreg $0x0  }
0xb7: {  	s5 =	sshll.u32 s28, $0x1;
	[dreg:$0x2] =	wrdreg s3  }
0xb8: {  	[dreg:$0x3] =	wrdreg s5  }
0xb9: {  	[dreg:$0x4] =	wrdreg $0xC0  }
0xba: {  	_ =	task [dreg:s22], $0x5FFFF  }
0xbb: {  	[dreg:$0x1] =	wrdreg $0xFFFFFFFF  }
0xbc: {  	[dreg:$0x0] =	wrdreg $0x60  }
0xbd: {  	[dreg:$0x2] =	wrdreg s24  }
0xbe: {  	[dreg:$0x3] =	wrdreg $0x9  }
0xbf: {  	_ =	task.clear_ibuf [dreg:s22], $0x4FFFF;
	_ =	strace $0x90000049  }
0xc0: {  	s29 =	simm.s32 $0x9;
	_ =	strace $0x8000004B  }
0xc1: {  	_ =	swait.ge [sflag:s29], $0x1  }
0xc2: {  	[sflag:s29] =	ssyncadd.s32 $0xFFFFFFFF  }
0xc3: {  	_ =	strace $0x9000004B  }
0xc4: {  	_ =	sfence  }
0xc5: {  	s30 =	sld [smem:$0x0];
	_ =	sdelay $0x2  }
0xc6: {  	s31 =	sshll.u32 s1, $0xD;
	s1 =	sshrl.u32 s1, $0x2  }
0xc7: {  	s4 =	sand.u32 $0x4000, s31;
	s1 =	sadd.s32 s1, s30  }
0xc8: {  	s0 =	sor.u32 s4, s0;
	s1 =	sshll.u32 s1, $0x11  }
0xc9: {  	s0 =	sor.u32 s1, s0  }
0xca: {  	s0 =	sadd.s32 $0x8F2B, s0  }
0xcb: {  	[sflag:s0] =	ssyncadd.remote.s32 $0x1  }
0xcc: {  	_ =	sfence.sel $0xFFFF  }
0xcd: {  	[dreg:$0x0] =	wrdreg $0xFFFFFFFF;
	(pc) =	sbr.abs _section_cstart, $3  }
0xce: {  	[dreg:$0x1] =	wrdreg $0xFFFFFFFF  }
0xcf: {  	_ =	task.clear_ibuf [dreg:s22], $0x2FFFF;
	_ =	strace $0x9FFFFFFF  }
0xd0: {  	(tm) =	ssettm $0x7FFFFFFF  }
0xd1: {  	_ =	shalt  }
tec
execute0_lowered:
.L_overlay_start_1:
0x0: {  	(tag) =	ssettag $0x1  }
0x1: {  	s0 =	srdreg.scid;
	s10 =	stileid.u32  }
0x2: {  	s1 =	rddreg [dreg:$0x0];
	s2 =	simm.s32 $0x0;
	s26 =	smul.u32 $0x1380, s10  }
0x3: {  	s19 =	simm.s32 $0x3;
	s20 =	simm.s32 $0x2780;
	s16 =	smul.u32 $0x13800, s10  }
0x4: {  	s22 =	simm.s32 $0x5900;
	s0 =	sand.u32 $0x1, s0;
	s17 =	smul.u32 $0x9C000, s10  }
0x5: {  	s24 =	simm.s32 $0x6D00;
	s28 =	simm.s32 $0x1;
	s15 =	smul.u32 $0x9C0, s0  }
0x6: {  	s29 =	simm.s32 $0x2;
	s3 =	sshll.u32 s10, $0x1;
	s18 =	smul.u32 $0x4E000, s0  }
0x7: {  	s5 =	sor.u32 s0, s3;
	s25 =	ssub.s32 $0x2, s0;
	s0 =	smul.u32 $0x9C00, s0  }
0x8: {  	[smem:$0x7FF] =	sst s2;
	s14 =	sadd.s32 $0x172A00, s1;
	s6 =	smul.u32 $0x9C0, s5  }
0x9: {  	s4 =	sadd.s32 $0x2600, s1;
	_ =	strace $0x8000004A;
	s7 =	smul.u32 $0x4E000, s5  }
0xa: {  	s3 =	sadd.s32 $0x29800, s1;
	s9 =	sshrl.u32 s25, $0x1;
	s13 =	smul.u32 $0x9C00, s5  }
0xb: {  	s5 =	sadd.s32 $0x29810, s1;
	s16 =	sadd.s32 s16, s14;
	s11 =	ssub.s32 s25, s9  }
0xc: {  	s17 =	sadd.s32 s18, s17;
	s23 =	sadd.s32 s15, s26;
	s0 =	sadd.s32 s0, s16  }
0xd: {  	s18 =	simm.s32 $0x100;
	s26 =	simm.s32 $0xAD00;
	s6 =	sshrl.u32 s6, $0x3  }
0xe: {  	s30 =	sshrl.u32 s7, $0x3;
	s11 =	smax.u32 s11, $0x1;
	s13 =	sadd.s32 s13, s14  }
0xf: {  	s31 =	sshrl.u32 s17, $0x3;
	s15 =	sadd.s32 $0x800, s0;
	s17 =	simm.s32 $0x80  }
0x10: {  	s0 =	simm.s32 $0x0;
	s8 =	sadd.s32 s6, s1;
	s12 =	sadd.s32 s14, s30  }
0x11: {  	s13 =	sadd.s32 $0x8800, s13;
	s1 =	simm.s32 $0x6280;
	s6 =	sadd.s32 $0x16DA00, s8  }
0x12: {  	s16 =	sadd.s32 s31, s14;
	s7 =	sadd.s32 $0x16B200, s8;
	s8 =	sadd.s32 $0x170200, s8  }
0x13: {  	s9 =	sadd.s32 $0x9000, s12;
	s10 =	sadd.s32 $0x9800, s12;
	s12 =	sadd.s32 $0x8000, s12  }
.LBB2_1:
0x14: {  	[tilespmem:s2], [sflag:$0x3] =	stream.strided.gather [hbm4b:s3+s17], $0x2780, s18, s17, $0x38;
	[tilespmem:$0xED00] =	vst v63  }
0x15: {  	_ =	swait.ge [sflag:s19], $0x2780  }
0x16: {  	[sflag:s19] =	ssyncset.done $0x0  }
0x17: {  	[sflag:s19] =	ssyncadd.s32 $0xFFFFD880  }
0x18: {  	[tilespmem:s20], [sflag:$0x3] =	stream.strided.gather [hbm4b:s5+s17], $0x2780, s18, s17, $0x38;
	[tilespmem:$0xED00] =	vst v63  }
0x19: {  	_ =	swait.ge [sflag:s19], $0x2780  }
0x1a: {  	[sflag:s19] =	ssyncset.done $0x0  }
0x1b: {  	s14 =	simm.s32 $0x4F00;
	[sflag:s19] =	ssyncadd.s32 $0xFFFFD880  }
0x1c: {  	[tilespmem:s14], [sflag:$0x3] =	stream.linear.gather [hbm4b:s6+s2], $0x9C0, $0x38;
	[tilespmem:$0xED00] =	vst v63  }
0x1d: {  	_ =	swait.ge [sflag:s19], $0x9C0  }
0x1e: {  	[sflag:s19] =	ssyncset.done $0x0  }
0x1f: {  	[sflag:s19] =	ssyncadd.s32 $0xFFFFF640  }
0x20: {  	[tilespmem:s22], [sflag:$0x3] =	stream.linear.gather [hbm4b:s7+s2], $0x9C0, $0x38;
	[tilespmem:$0xED00] =	vst v63  }
0x21: {  	_ =	swait.ge [sflag:s19], $0x9C0  }
0x22: {  	[sflag:s19] =	ssyncset.done $0x0  }
0x23: {  	s31 =	simm.s32 $0x0;
	[sflag:s19] =	ssyncadd.s32 $0xFFFFF640  }
0x24: {  	v0 =	vld [tilespmem:s31+$0x5900]  }
0x25: {  	v1 =	vld [tilespmem:s31+$0x4F00];
	_ =	sdelay $0x6  }
0x26: {  	v0 =	vld.idx.msk [tilespmem:v0+s20+$0x0], $0xffff  }
0x27: {  	v1 =	vld.idx.msk [tilespmem:v1+s2+$0x0], $0xffff;
	_ =	sdelay $0x4  }
0x28: {  	v0 =	vadd.f32 v0, v1;
	_ =	sdelay $0x1  }
0x29: {  	v1 =	vmul.f32 $2.000000030e-01, v0;
	_ =	sdelay $0x1  }
0x2a: {  	v0 =	vmax.f32 v0, v1  }
0x2b: {  	v0 =	vmax.f32 v0, $-2.000000000e+00  }
0x2c: {  	v0 =	vmin.f32 v0, $2.000000000e+00  }
0x2d: {  	v0 =	vmul.f32 $1.442695020e+00, v0;
	_ =	sdelay $0x1  }
0x2e: {  	(erf) = vpow2.f32 v0;
	_ =	sdelay $0x2  }
0x2f: {  	s21 =	simm.s32 $0x10  }
0x30: {  	v0 =	vld [tilespmem:s21+$0x5900]  }
0x31: {  	v1 =	vld [tilespmem:s21+$0x4F00];
	_ =	sdelay $0x3  }
0x32: {  	p0 =	slt.u32 s23, $0x13800;
	v2 =	vpop (erf)  }
0x33: {  	v2 =	vpsel !p0, $0x0, v2  }
0x34: {  	[tilespmem:s31+$0x6300] =	vst v2  }
0x35: {  	v0 =	vld.idx.msk [tilespmem:v0+s20+$0x0], $0xffff  }
0x36: {  	v1 =	vld.idx.msk [tilespmem:v1+s2+$0x0], $0xffff;
	_ =	sdelay $0x4  }
0x37: {  	v0 =	vadd.f32 v0, v1;
	_ =	sdelay $0x1  }
0x38: {  	v1 =	vmul.f32 $2.000000030e-01, v0;
	_ =	sdelay $0x1  }
0x39: {  	v0 =	vmax.f32 v0, v1  }
0x3a: {  	v0 =	vmax.f32 v0, $-2.000000000e+00  }
0x3b: {  	v0 =	vmin.f32 v0, $2.000000000e+00  }
0x3c: {  	v0 =	vmul.f32 $1.442695020e+00, v0;
	_ =	sdelay $0x1  }
0x3d: {  	(erf) = vpow2.f32 v0;
	_ =	sdelay $0x2  }
0x3e: {  	s30 =	simm.s32 $0x20  }
0x3f: {  	s25 =	simm.s32 $0xC0;
	s14 =	smov.u32 s23;
	v0 =	vld [tilespmem:s30+$0x5900]  }
.LBB2_2:
0x40: {  	p0 =	sne.s32 s25, $0x26C0;
	v1 =	vld [tilespmem:s30+$0x4F00];
	_ =	sdelay $0x2  }
0x41: {  	s14 =	sadd.s32 $0x10, s14  }
0x42: {  	p1 =	slt.u32 s14, $0x13800;
	v2 =	vpop (erf)  }
0x43: {  	v2 =	vpsel !p1, $0x0, v2  }
0x44: {  	[tilespmem:s21+$0x6300] =	vst v2;
	s21 =	smov.u32 s30  }
0x45: {  	v0 =	vld.idx.msk [tilespmem:v0+s20+$0x0], $0xffff  }
0x46: {  	v1 =	vld.idx.msk [tilespmem:v1+s2+$0x0], $0xffff;
	_ =	sdelay $0x5  }
0x47: {  	v0 =	vadd.f32 v0, v1;
	_ =	sdelay $0x1  }
0x48: {  	v1 =	vmul.f32 $2.000000030e-01, v0;
	_ =	sdelay $0x1  }
0x49: {  	v0 =	vmax.f32 v0, v1  }
0x4a: {  	v0 =	vmax.f32 v0, $-2.000000000e+00  }
0x4b: {  	v0 =	vmin.f32 v0, $2.000000000e+00  }
0x4c: {  	v0 =	vmul.f32 $1.442695020e+00, v0;
	_ =	sdelay $0x1  }
.Ltmp0:
0x4d: {  	(erf) = vpow2.f32 v0;
	(pc) =	sbr.rel @p0 .LBB2_2-.Ltmp0, $3  }
0x4e: {  	_ =	sdelay $0x1  }
0x4f: {  	s30 =	sshra.s32 s25, $0x2  }
0x50: {  	s25 =	sadd.s32 $0x40, s25;
	v0 =	vld [tilespmem:s30+$0x5900]  }
0x51: {  	_ = 	snop  }
0x52: {  	v1 =	vld [tilespmem:s30+$0x4F00];
	_ =	sdelay $0x2  }
0x53: {  	s14 =	sadd.s32 $0x10, s14  }
0x54: {  	p0 =	slt.u32 s14, $0x13800;
	v2 =	vpop (erf)  }
0x55: {  	v2 =	vpsel !p0, $0x0, v2  }
0x56: {  	[tilespmem:s21+$0x6300] =	vst v2  }
0x57: {  	v0 =	vld.idx.msk [tilespmem:v0+s20+$0x0], $0xffff  }
0x58: {  	v1 =	vld.idx.msk [tilespmem:v1+s2+$0x0], $0xffff;
	_ =	sdelay $0x4  }
0x59: {  	v0 =	vadd.f32 v0, v1;
	_ =	sdelay $0x1  }
0x5a: {  	v1 =	vmul.f32 $2.000000030e-01, v0;
	_ =	sdelay $0x1  }
0x5b: {  	v0 =	vmax.f32 v0, v1  }
0x5c: {  	v0 =	vmax.f32 v0, $-2.000000000e+00  }
0x5d: {  	v0 =	vmin.f32 v0, $2.000000000e+00  }
0x5e: {  	v0 =	vmul.f32 $1.442695020e+00, v0;
	_ =	sdelay $0x1  }
0x5f: {  	(erf) = vpow2.f32 v0;
	_ =	sdelay $0x7  }
0x60: {  	s14 =	sadd.s32 $0x10, s14  }
0x61: {  	p6 =	slt.u32 s14, $0x13800;
	v0 =	vpop (erf)  }
0x62: {  	v0 =	vpsel !p6, $0x0, v0  }
0x63: {  	s31 =	simm.s32 $0x6300;
	[tilespmem:s30+$0x6300] =	vst v0;
	s30 =	simm.s32 $0x0  }
0x64: {  	[hbm4b:s8+s30] =	stream.linear.scatter [tilespmem:s31], [sflag:$0x3], $0x9C0, $0x38;
	[tilespmem:$0xED00] =	vst v63  }
0x65: {  	_ =	swait.ge [sflag:s19], $0x9C0  }
0x66: {  	[sflag:s19] =	ssyncset.done $0x0  }
0x67: {  	[sflag:s19] =	ssyncadd.s32 $0xFFFFF640  }
0x68: {  	[tilespmem:s24], [sflag:$0x1] =	stream.indirect.gather [hbm4b:s4+s17], $0x80, s22, s17, $0xb8;
	[tilespmem:$0xED00] =	vst v63  }
0x69: {  	s21 =	simm.s32 $0x5980  }
0x6a: {  	[tilespmem:s26], [sflag:$0x2] =	stream.indirect.gather [hbm4b:s4+s17], $0x80, s21, s17, $0xb8;
	[tilespmem:$0xED00] =	vst v63  }
0x6b: {  	_ =	swait.ge [sflag:s28], $0x4000  }
0x6c: {  	[sflag:s28] =	ssyncset.done $0x0  }
0x6d: {  	s25 =	sadd.s32 $0x0, s16;
	[sflag:s28] =	ssyncadd.s32 $0xFFFFC000  }
0x6e: {  	[hbm4b:s25+s2] =	stream.linear.scatter [tilespmem:s24], [sflag:$0x3], $0x4000, $0x38;
	[tilespmem:$0xED00] =	vst v63  }
0x6f: {  	_ =	swait.ge [sflag:s19], $0x4000  }
0x70: {  	[sflag:s19] =	ssyncset.done $0x0  }
0x71: {  	s30 =	simm.s32 $0x5A00;
	[sflag:s19] =	ssyncadd.s32 $0xFFFFC000  }
0x72: {  	[tilespmem:s24], [sflag:$0x1] =	stream.indirect.gather [hbm4b:s4+s17], $0x80, s30, s17, $0xb8;
	[tilespmem:$0xED00] =	vst v63  }
0x73: {  	_ =	swait.ge [sflag:s29], $0x4000  }
0x74: {  	[sflag:s29] =	ssyncset.done $0x0  }
0x75: {  	s31 =	sadd.s32 $0x0, s15;
	[sflag:s29] =	ssyncadd.s32 $0xFFFFC000  }
0x76: {  	[hbm4b:s31+s2] =	stream.linear.scatter [tilespmem:s26], [sflag:$0x3], $0x4000, $0x38;
	[tilespmem:$0xED00] =	vst v63  }
0x77: {  	_ =	swait.ge [sflag:s19], $0x4000  }
0x78: {  	s14 =	simm.s32 $0x5A80;
	[sflag:s19] =	ssyncset.done $0x0  }
0x79: {  	s21 =	simm.s32 $0x1000;
	s25 =	simm.s32 $0x5B80;
	[sflag:s19] =	ssyncadd.s32 $0xFFFFC000  }
.LBB2_4:
0x7a: {  	[tilespmem:s26], [sflag:$0x2] =	stream.indirect.gather [hbm4b:s4+s17], $0x80, s14, s17, $0xb8;
	[tilespmem:$0xED00] =	vst v63  }
0x7b: {  	s30 =	smov.u32 s21;
	s14 =	smov.u32 s25  }
0x7c: {  	p0 =	sne.s32 s21, $0x7000;
	s21 =	sadd.s32 $0x1000, s21;
	_ =	swait.ge [sflag:s28], $0x4000  }
0x7d: {  	[sflag:s28] =	ssyncset.done $0x0  }
0x7e: {  	s31 =	sadd.s32 s30, s16;
	[sflag:s28] =	ssyncadd.s32 $0xFFFFC000  }
0x7f: {  	[hbm4b:s31+s2] =	stream.linear.scatter [tilespmem:s24], [sflag:$0x3], $0x4000, $0x38;
	[tilespmem:$0xED00] =	vst v63  }
0x80: {  	_ =	swait.ge [sflag:s19], $0x4000  }
0x81: {  	[sflag:s19] =	ssyncset.done $0x0  }
0x82: {  	s31 =	sadd.s32 $0xFFFFFF80, s25;
	[sflag:s19] =	ssyncadd.s32 $0xFFFFC000  }
0x83: {  	[tilespmem:s24], [sflag:$0x1] =	stream.indirect.gather [hbm4b:s4+s17], $0x80, s31, s17, $0xb8;
	[tilespmem:$0xED00] =	vst v63  }
0x84: {  	_ =	swait.ge [sflag:s29], $0x4000  }
0x85: {  	[sflag:s29] =	ssyncset.done $0x0  }
.Ltmp1:
0x86: {  	s30 =	sadd.s32 s30, s15;
	[sflag:s29] =	ssyncadd.s32 $0xFFFFC000;
	(pc) =	sbr.rel @p0 .LBB2_4-.Ltmp1, $4  }
0x87: {  	[hbm4b:s30+s2] =	stream.linear.scatter [tilespmem:s26], [sflag:$0x3], $0x4000, $0x38;
	[tilespmem:$0xED00] =	vst v63  }
0x88: {  	_ =	swait.ge [sflag:s19], $0x4000  }
0x89: {  	[sflag:s19] =	ssyncset.done $0x0  }
0x8a: {  	s25 =	sadd.s32 $0x100, s25;
	[sflag:s19] =	ssyncadd.s32 $0xFFFFC000  }
0x8b: {  	[tilespmem:s26], [sflag:$0x2] =	stream.indirect.gather [hbm4b:s4+s17], $0x80, s14, s17, $0xb8;
	[tilespmem:$0xED00] =	vst v63  }
0x8c: {  	_ =	swait.ge [sflag:s28], $0x4000  }
0x8d: {  	[sflag:s28] =	ssyncset.done $0x0  }
0x8e: {  	[sflag:s28] =	ssyncadd.s32 $0xFFFFC000  }
0x8f: {  	[hbm4b:s12+s2] =	stream.linear.scatter [tilespmem:s24], [sflag:$0x3], $0x4000, $0x38;
	[tilespmem:$0xED00] =	vst v63  }
0x90: {  	_ =	swait.ge [sflag:s19], $0x4000  }
0x91: {  	[sflag:s19] =	ssyncset.done $0x0  }
0x92: {  	s30 =	simm.s32 $0x6200;
	[sflag:s19] =	ssyncadd.s32 $0xFFFFC000  }
0x93: {  	[tilespmem:s24], [sflag:$0x1] =	stream.indirect.gather [hbm4b:s4+s17], $0x80, s30, s17, $0xb8;
	[tilespmem:$0xED00] =	vst v63  }
0x94: {  	_ =	swait.ge [sflag:s29], $0x4000  }
0x95: {  	[sflag:s29] =	ssyncset.done $0x0  }
0x96: {  	[sflag:s29] =	ssyncadd.s32 $0xFFFFC000  }
0x97: {  	[hbm4b:s13+s2] =	stream.linear.scatter [tilespmem:s26], [sflag:$0x3], $0x4000, $0x38;
	[tilespmem:$0xED00] =	vst v63  }
0x98: {  	_ =	swait.ge [sflag:s19], $0x4000  }
0x99: {  	[sflag:s19] =	ssyncset.done $0x0  }
0x9a: {  	[sflag:s19] =	ssyncadd.s32 $0xFFFFC000  }
0x9b: {  	_ =	swait.ge [sflag:s28], $0x4000  }
0x9c: {  	[sflag:s28] =	ssyncset.done $0x0  }
0x9d: {  	[sflag:s28] =	ssyncadd.s32 $0xFFFFC000  }
0x9e: {  	[hbm4b:s9+s2] =	stream.linear.scatter [tilespmem:s24], [sflag:$0x3], $0x4000, $0x38;
	[tilespmem:$0xED00] =	vst v63  }
0x9f: {  	_ =	swait.ge [sflag:s19], $0x4000  }
0xa0: {  	[sflag:s19] =	ssyncset.done $0x0  }
0xa1: {  	s31 =	simm.s32 $0x40;
	[sflag:s19] =	ssyncadd.s32 $0xFFFFC000  }
0xa2: {  	[tilespmem:s24], [sflag:$0x1] =	stream.indirect.gather [hbm4b:s4+s31], $0x80, s1, s31, $0xb8;
	[tilespmem:$0xED00] =	vst v63  }
0xa3: {  	s0 =	sadd.s32 $0x1, s0;
	_ =	swait.ge [sflag:s28], $0x2000  }
0xa4: {  	p0 =	sne.s32 s0, s11;
	[sflag:s28] =	ssyncset.done $0x0  }
.Ltmp2:
0xa5: {  	[sflag:s28] =	ssyncadd.s32 $0xFFFFE000;
	(pc) =	sbr.rel @p0 .LBB2_1-.Ltmp2, $4  }
0xa6: {  	[hbm4b:s10+s2] =	stream.linear.scatter [tilespmem:s24], [sflag:$0x3], $0x2000, $0x38;
	[tilespmem:$0xED00] =	vst v63  }
0xa7: {  	_ =	swait.ge [sflag:s19], $0x2000  }
0xa8: {  	[sflag:s19] =	ssyncset.done $0x0  }
0xa9: {  	[sflag:s19] =	ssyncadd.s32 $0xFFFFE000  }
0xaa: {  	_ =	sfence.sel $0x180000  }
0xab: {  	[bflag:$0x0] =	sbarrier.arrive $0xFFFF  }
0xac: {  	_ =	strace $0x9000004A  }
0xad: {  	s0 =	stileid.u32;
	[bflag:$0x2] =	sbarrier.arrive $0xFFFF  }
0xae: {  	p0 =	sne.s32 s0, $0x0;
	s0 =	rddreg [dreg:$0x1]  }
0xaf: {  	s0 =	sadd.s32 @!p0 $0x100000, s0  }
0xb0: {  	[sflag:s0] =	ssyncadd.tile.s32 @!p0 $0x1;
	_ =	shalt  }
.Lfunc_end2:
_tile_overlayer_lowered:
.L_overlay_start_2:
0xb1: {  	(tag) =	ssettag $0x2  }
0xb2: {  	s0 =	rddreg [dreg:$0x0];
	s2 =	stileid.u32  }
0xb3: {  	s1 =	rddreg [dreg:$0x1];
	p0 =	sne.s32 s2, $0x0  }
0xb4: {  	s3 =	rddreg [dreg:$0x2];
	[bflag:$0x3] =	sbarrier.arrive $0xFFFF;
	s2 =	simm.s32 @!p0 $0x1C03  }
0xb5: {  	[timem:s3], [sflag:s2] =	dma.local @!p0 [hbm:s0], s1  }
0xb6: {  	s0 =	simm.s32 @!p0 $0x3  }
0xb7: {  	_ =	swait.ge @!p0 [sflag:s0], s1  }
0xb8: {  	s1 =	ssub.s32 @!p0 $0x0, s1;
	[sflag:s0] =	ssyncset.done @!p0 $0x0  }
0xb9: {  	[sflag:s0] =	ssyncadd.s32 @!p0 s1  }
0xba: {  	[bflag:$0x3] =	sbarrier.arrive $0xFFFF  }
0xbb: {  	_ =	shalt  }

</sc_bundles>
